<compile_context>
chip_gen: v7x
topology: tpu7x:2x2x1
jax: 0.10.2.dev20260603
libtpu: 0.0.44.dev20260713+nightly
codegen_flags: <defaults>
</compile_context>

<pallas_src>
import functools

import jax
import jax.numpy as jnp
from jax import lax
from jax.experimental import pallas as pl
from jax.experimental.pallas import tpu as pltpu
from jax.experimental.pallas import tpu_sc as plsc

N = 10000
E = 320000
D = 128

_INFO = plsc.get_sparse_core_info()
NC = _INFO.num_cores
NS = _INFO.num_subcores
NW = NC * NS

NP = 10240
ROWS_PER_TILE = NP // NS
CH = 128
NCH = 80
NB = 2
NG = NB // 2
NSC = NB - NG
IB = 40
NIB = NCH // IB
EPT = NCH * CH
EPAD = EPT * NW

_MESH = plsc.VectorSubcoreMesh(core_axis_name="c", subcore_axis_name="s")
_SC_PARAMS = pltpu.CompilerParams(needs_layout_passes=False)


@functools.partial(
    pl.kernel,
    out_type=jax.ShapeDtypeStruct((NW, NP), jnp.float32),
    mesh=_MESH,
    scratch_types=[
        pltpu.VMEM((NCH, CH), jnp.int32),
        pltpu.VMEM((NP,), jnp.float32),
    ],
    compiler_params=_SC_PARAMS,
)
def _sc_degree(edges_hbm, out_hbm, dst_v, hist_v):
    c = lax.axis_index("c")
    s = lax.axis_index("s")
    wid = s * NC + c

    def zero(i, _):
        hist_v[pl.ds(i * 16, 16)] = jnp.zeros((16,), jnp.float32)
        return _

    lax.fori_loop(0, NP // 16, zero, None)

    pltpu.sync_copy(edges_hbm.at[1, wid], dst_v)

    ones = jnp.ones((16,), jnp.float32)

    def row(r, _):
        def col(k, __):
            idx = dst_v[r, pl.ds(k * 16, 16)]
            plsc.addupdate_scatter(hist_v, [idx], ones)
            return __

        return lax.fori_loop(0, CH // 16, col, _)

    lax.fori_loop(0, NCH, row, None)

    pltpu.sync_copy(hist_v, out_hbm.at[wid])


@functools.partial(
    pl.kernel,
    out_type=jax.ShapeDtypeStruct((NC, NP, D), jnp.float32),
    mesh=_MESH,
    scratch_types=[
        pltpu.VMEM((IB, CH), jnp.int32),
        pltpu.VMEM((IB, CH), jnp.int32),
        [pltpu.VMEM((CH, D), jnp.float32)] * NB,
        pltpu.VMEM_SHARED((NP, D), jnp.float32),
        [pltpu.SemaphoreType.DMA] * NB,
        [pltpu.SemaphoreType.DMA] * NB,
    ],
    compiler_params=_SC_PARAMS,
)
def _sc_hop(x_hbm, edges_hbm, out_hbm, sidx, didx, rows, acc_sh, gsem, ssem):
    c = lax.axis_index("c")
    s = lax.axis_index("s")
    wid = s * NC + c

    def zrow(r, _):
        def zcol(k, __):
            rows[0][r, pl.ds(k * 16, 16)] = jnp.zeros((16,), jnp.float32)
            return __

        return lax.fori_loop(0, D // 16, zcol, _)

    lax.fori_loop(0, CH, zrow, None)

    def zcopy(i, _):
        pltpu.sync_copy(rows[0], acc_sh.at[pl.ds(s * ROWS_PER_TILE + i * CH, CH)])
        return _

    lax.fori_loop(0, ROWS_PER_TILE // CH, zcopy, None)

    pltpu.sync_copy(edges_hbm.at[0, wid, pl.ds(0, IB)], sidx)
    pltpu.sync_copy(edges_hbm.at[1, wid, pl.ds(0, IB)], didx)
    for b in range(NG):
        pltpu.async_copy(x_hbm.at[sidx.at[b]], rows[b], gsem[b])

    plsc.subcore_barrier()

    for kb in range(NIB):
        if kb > 0:
            pltpu.sync_copy(edges_hbm.at[0, wid, pl.ds(kb * IB, IB)], sidx)
            pltpu.sync_copy(edges_hbm.at[1, wid, pl.ds(kb * IB, IB)], didx)
            for b in range(NG):
                pltpu.async_copy(x_hbm.at[sidx.at[b]], rows[b], gsem[b])

        def group(t, _):
            for b in range(NB):
                jj = t * NB + b
                br = (b + NG) % NB

                @pl.when(jj >= NSC)
                def _recycle():
                    pltpu.make_async_copy(
                        rows[br], acc_sh.at[didx.at[jj - NSC]], ssem[br]
                    ).wait()

                @pl.when(jj + NG < IB)
                def _prefetch():
                    pltpu.async_copy(x_hbm.at[sidx.at[jj + NG]], rows[br], gsem[br])

                pltpu.make_async_copy(x_hbm.at[sidx.at[jj]], rows[b], gsem[b]).wait()
                pltpu.async_copy(rows[b], acc_sh.at[didx.at[jj]], ssem[b], add=True)
            return _

        lax.fori_loop(0, IB // NB, group, None)

        for k in range(NSC):
            jj = IB - NSC + k
            pltpu.make_async_copy(
                rows[jj % NB], acc_sh.at[didx.at[jj]], ssem[jj % NB]
            ).wait()

    plsc.subcore_barrier()

    pltpu.sync_copy(
        acc_sh.at[pl.ds(s * ROWS_PER_TILE, ROWS_PER_TILE)],
        out_hbm.at[c, pl.ds(s * ROWS_PER_TILE, ROWS_PER_TILE)],
    )


_RB = 2048


def _deg_of(deg_ref):
    return jnp.maximum(jnp.sum(deg_ref[...], axis=0), 1.0)


def _tc_prep_body(deg_ref, feat_ref, z0_ref):
    nrm = lax.rsqrt(_deg_of(deg_ref))[:, None]
    z0_ref[...] = feat_ref[...] * nrm


_tc_prep = pl.pallas_call(
    _tc_prep_body,
    grid=(NP // _RB,),
    in_specs=[
        pl.BlockSpec((NW, _RB), lambda i: (0, i)),
        pl.BlockSpec((_RB, D), lambda i: (i, 0)),
    ],
    out_specs=pl.BlockSpec((_RB, D), lambda i: (i, 0)),
    out_shape=jax.ShapeDtypeStruct((NP, D), jnp.float32),
)


def _tc_scale_body(acc_ref, deg_ref, z1_ref):
    inv = (1.0 / _deg_of(deg_ref))[:, None]
    z1_ref[...] = (acc_ref[0] + acc_ref[1]) * inv


_tc_scale = pl.pallas_call(
    _tc_scale_body,
    grid=(NP // _RB,),
    in_specs=[
        pl.BlockSpec((NC, _RB, D), lambda i: (0, i, 0)),
        pl.BlockSpec((NW, _RB), lambda i: (0, i)),
    ],
    out_specs=pl.BlockSpec((_RB, D), lambda i: (i, 0)),
    out_shape=jax.ShapeDtypeStruct((NP, D), jnp.float32),
)


def _tc_final_body(acc_ref, deg_ref, w_ref, b_ref, out_ref):
    nrm = lax.rsqrt(_deg_of(deg_ref))[:, None]
    h = (acc_ref[0] + acc_ref[1]) * nrm
    out_ref[...] = (
        jnp.dot(h, w_ref[...], preferred_element_type=jnp.float32) + b_ref[...]
    )


_tc_final = pl.pallas_call(
    _tc_final_body,
    grid=(NP // _RB,),
    in_specs=[
        pl.BlockSpec((NC, _RB, D), lambda i: (0, i, 0)),
        pl.BlockSpec((NW, _RB), lambda i: (0, i)),
        pl.BlockSpec((D, D), lambda i: (0, 0)),
        pl.BlockSpec((1, D), lambda i: (0, 0)),
    ],
    out_specs=pl.BlockSpec((_RB, D), lambda i: (i, 0)),
    out_shape=jax.ShapeDtypeStruct((NP, D), jnp.float32),
)


def kernel(feat, edge_index, weight, bias):
    feat_p = jnp.pad(feat, ((0, NP - N), (0, 0)))
    pad_idx = (jnp.arange(EPAD - E, dtype=jnp.int32) % (NP - N)) + N
    edges_p = jnp.concatenate([edge_index, jnp.stack([pad_idx, pad_idx])], axis=1)
    edges_r = edges_p.reshape(2, NW, NCH, CH)

    deg_parts = _sc_degree(edges_r)
    z0 = _tc_prep(deg_parts, feat_p)
    acc_a = _sc_hop(z0, edges_r)
    z1 = _tc_scale(acc_a, deg_parts)
    acc_b = _sc_hop(z1, edges_r)
    out = _tc_final(acc_b, deg_parts, weight, bias.reshape(1, D))
    return out[:N]

# --- scband reference (transcript-rebuilt; emitter-appended) ---
"""Pipeline reference for scband-sgconv-8014408975028 (READ-ONLY COPY).

The authoritative reference and input builder live on the scoring server;
editing this copy changes nothing except your own understanding.
"""

import jax, jax.numpy as jnp
import numpy as np

N = 10000
E = 320000
D_IN = 128
D_OUT = 128
K = 2


def setup_inputs(seed: int = 0) -> dict:
    key = jax.random.key(seed)
    k1, k2, k3 = jax.random.split(key, 3)
    feat = jax.random.normal(k1, (N, D_IN), dtype=jnp.float32)
    edge_index = jax.random.randint(k2, (2, E), 0, N, dtype=jnp.int32)
    # Xavier uniform init for the linear weight, zeros for bias (matches reset_parameters)
    limit = float(np.sqrt(6.0 / (D_IN + D_OUT)))
    weight = jax.random.uniform(k3, (D_IN, D_OUT), minval=-limit, maxval=limit, dtype=jnp.float32)
    bias = jnp.zeros((D_OUT,), dtype=jnp.float32)
    return {"feat": feat, "edge_index": edge_index, "weight": weight, "bias": bias}


def reference(feat, edge_index, weight, bias):
    src = edge_index[0]
    dst = edge_index[1]
    n = feat.shape[0]
    # in-degrees, clamped to min 1
    degs = jax.ops.segment_sum(jnp.ones((src.shape[0],), dtype=jnp.float32), dst, num_segments=n)
    degs = jnp.maximum(degs, 1.0)
    norm = (degs ** -0.5)[:, None]
    h = feat
    for _ in range(K):
        h = h * norm
        # update_all(copy_src, sum): scatter-add messages from src into dst
        h = jax.ops.segment_sum(h[src], dst, num_segments=n)
        h = h * norm
    out = h @ weight + bias
    return out

if __name__ == "__main__":
    import jax
    _d = setup_inputs()
    print(jax.jit(kernel)(*tuple(_d.values())))

</pallas_src>

<mosaic_0001>
#map = affine_map<(d0, d1) -> (0, 0)>
#map1 = affine_map<(d0, d1) -> (0, 0, 0, 0)>
#map2 = affine_map<(d0, d1) -> (0, 0, 0)>
module attributes {stable_mosaic.version = 14 : i64} {
  func.func @_sc_hop(%arg0: i32, %arg1: i32, %arg2: memref<10240x128xf32, #tpu.memory_space<hbm>>, %arg3: memref<2x32x80x128xi32, #tpu.memory_space<hbm>>, %arg4: memref<2x10240x128xf32, #tpu.memory_space<hbm>>, %arg5: memref<40x128xi32, #tpu.memory_space<vmem>>, %arg6: memref<40x128xi32, #tpu.memory_space<vmem>>, %arg7: memref<128x128xf32, #tpu.memory_space<vmem>>, %arg8: memref<128x128xf32, #tpu.memory_space<vmem>>, %arg9: memref<10240x128xf32, #tpu.memory_space<vmem_shared>>, %arg10: memref<!tpu.dma_semaphore, #tpu.memory_space<semaphore_mem>>, %arg11: memref<!tpu.dma_semaphore, #tpu.memory_space<semaphore_mem>>, %arg12: memref<!tpu.dma_semaphore, #tpu.memory_space<semaphore_mem>>, %arg13: memref<!tpu.dma_semaphore, #tpu.memory_space<semaphore_mem>>) attributes {dimension_semantics = [#tpu.dimension_semantics<core_parallel>, #tpu.dimension_semantics<subcore_parallel>], iteration_bounds = array<i64: 2, 16>, scalar_prefetch = 0 : i64, scratch_operands = 9 : i64, tpu.core_type = #tpu.core_type<sc_vector_subcore>, window_params = [{transform_indices = #map}, {transform_indices = #map1}, {transform_indices = #map2}]} {
    %mul3A = arith.constant 2 : i32
    %mul3A_0 = arith.muli %arg1, %mul3A : i32
    %add3A = arith.addi %mul3A_0, %arg0 : i32
    %scan3A = arith.constant 0 : i32
    %scan3A_1 = arith.constant 128 : i32
    %scan3A_2 = arith.addi %scan3A, %scan3A_1 : i32
    %scan3A_3 = arith.constant 1 : i32
    scf.for %scan3A_54 = %scan3A to %scan3A_2 step %scan3A_3  : i32 {
      %scan3A_55 = arith.constant 0 : i32
      %scan3A_56 = arith.constant 8 : i32
      %scan3A_57 = arith.addi %scan3A_55, %scan3A_56 : i32
      %scan3A_58 = arith.constant 1 : i32
      scf.for %scan3A_60 = %scan3A_55 to %scan3A_57 step %scan3A_58  : i32 {
        %broadcast_in_dim3A = arith.constant 0.000000e+00 : f32
        %broadcast_in_dim3A_61 = vector.broadcast %broadcast_in_dim3A : f32 to vector<16xf32>
        %mul3A_62 = arith.constant 16 : i32
        %mul3A_63 = arith.muli %scan3A_60, %mul3A_62 : i32
        %swap3A = arith.index_cast %scan3A_54 : i32 to index
        %swap3A_64 = arith.index_cast %mul3A_63 : i32 to index
        %swap3A_65 = tpu.vector_load %arg7[%swap3A, %swap3A_64] {strides = array<i32>} : memref<128x128xf32, #tpu.memory_space<vmem>>, vector<16xf32>,
        tpu.vector_store %arg7[%swap3A, %swap3A_64], %broadcast_in_dim3A_61 {strides = array<i32>} : memref<128x128xf32, #tpu.memory_space<vmem>>, vector<16xf32>,
      }
      %scan3A_59 = arith.constant 8 : i32
    }
    %scan3A_4 = arith.constant 128 : i32
    %scan3A_5 = arith.constant 0 : i32
    %scan3A_6 = arith.constant 5 : i32
    %scan3A_7 = arith.addi %scan3A_5, %scan3A_6 : i32
    %scan3A_8 = arith.constant 1 : i32
    scf.for %scan3A_54 = %scan3A_5 to %scan3A_7 step %scan3A_8  : i32 {
      %mul3A_55 = arith.constant 640 : i32
      %mul3A_56 = arith.muli %arg1, %mul3A_55 : i32
      %mul3A_57 = arith.constant 128 : i32
      %mul3A_58 = arith.muli %scan3A_54, %mul3A_57 : i32
      %add3A_59 = arith.addi %mul3A_56, %mul3A_58 : i32
      "tpu.region"() ({
        %run_scoped3A_60 = tpu.sem_alloc : memref<!tpu.dma_semaphore, #tpu.memory_space<semaphore_mem>>
        %dma_start3A_61 = arith.constant 0 : i32
        %dma_start3A_62 = tpu.memref_slice %arg9[%add3A_59, %dma_start3A_61] : memref<10240x128xf32, #tpu.memory_space<vmem_shared>> -> memref<128x128xf32, #tpu.memory_space<vmem_shared>>
        %dma_start3A_63 = arith.constant 0 : i32
        %dma_start3A_64 = tpu.memref_slice %arg9[%add3A_59, %dma_start3A_63] : memref<10240x128xf32, #tpu.memory_space<vmem_shared>> -> memref<128x128xf32, #tpu.memory_space<vmem_shared>>
        tpu.enqueue_dma source(%arg7 : memref<128x128xf32, #tpu.memory_space<vmem>>) target(%dma_start3A_64 : memref<128x128xf32, #tpu.memory_space<vmem_shared>>) target_semaphore(%run_scoped3A_60 : memref<!tpu.dma_semaphore, #tpu.memory_space<semaphore_mem>>)
        %dma_wait3A_65 = arith.constant 0 : i32
        %dma_wait3A_66 = tpu.memref_slice %arg9[%add3A_59, %dma_wait3A_65] : memref<10240x128xf32, #tpu.memory_space<vmem_shared>> -> memref<128x128xf32, #tpu.memory_space<vmem_shared>>
        %dma_wait3A_67 = arith.constant 0 : i32
        %dma_wait3A_68 = tpu.memref_slice %arg9[%add3A_59, %dma_wait3A_67] : memref<10240x128xf32, #tpu.memory_space<vmem_shared>> -> memref<128x128xf32, #tpu.memory_space<vmem_shared>>
        tpu.wait_dma2 semaphore(%run_scoped3A_60 : memref<!tpu.dma_semaphore, #tpu.memory_space<semaphore_mem>>) src(%arg7 : memref<128x128xf32, #tpu.memory_space<vmem>>) dst(%dma_wait3A_68 : memref<128x128xf32, #tpu.memory_space<vmem_shared>>)
        tpu.yield
      }) : () -> ()
    }
    %scan3A_9 = arith.constant 5 : i32
    %run_scoped3A = arith.constant 0 : i32
    "tpu.region"() ({
      %run_scoped3A_54 = tpu.sem_alloc : memref<!tpu.dma_semaphore, #tpu.memory_space<semaphore_mem>>
      %dma_start3A_55 = arith.constant 0 : i32
      %dma_start3A_56 = arith.constant 0 : i32
      %dma_start3A_57 = tpu.memref_slice %arg3[%run_scoped3A, %add3A, %dma_start3A_55, %dma_start3A_56] : memref<2x32x80x128xi32, #tpu.memory_space<hbm>> -> memref<1x1x40x128xi32, #tpu.memory_space<hbm>>
      %dma_start3A_58 = tpu.memref_squeeze %dma_start3A_57 : memref<1x1x40x128xi32, #tpu.memory_space<hbm>> -> memref<40x128xi32, #tpu.memory_space<hbm>>
      %dma_start3A_59 = arith.constant 0 : i32
      %dma_start3A_60 = arith.constant 0 : i32
      %dma_start3A_61 = tpu.memref_slice %arg3[%run_scoped3A, %add3A, %dma_start3A_59, %dma_start3A_60] : memref<2x32x80x128xi32, #tpu.memory_space<hbm>> -> memref<1x1x40x128xi32, #tpu.memory_space<hbm>>
      %dma_start3A_62 = tpu.memref_squeeze %dma_start3A_61 : memref<1x1x40x128xi32, #tpu.memory_space<hbm>> -> memref<40x128xi32, #tpu.memory_space<hbm>>
      tpu.enqueue_dma source(%dma_start3A_62 : memref<40x128xi32, #tpu.memory_space<hbm>>) target(%arg5 : memref<40x128xi32, #tpu.memory_space<vmem>>) target_semaphore(%run_scoped3A_54 : memref<!tpu.dma_semaphore, #tpu.memory_space<semaphore_mem>>)
      %dma_wait3A_63 = arith.constant 0 : i32
      %dma_wait3A_64 = arith.constant 0 : i32
      %dma_wait3A_65 = tpu.memref_slice %arg3[%run_scoped3A, %add3A, %dma_wait3A_63, %dma_wait3A_64] : memref<2x32x80x128xi32, #tpu.memory_space<hbm>> -> memref<1x1x40x128xi32, #tpu.memory_space<hbm>>
      %dma_wait3A_66 = tpu.memref_squeeze %dma_wait3A_65 : memref<1x1x40x128xi32, #tpu.memory_space<hbm>> -> memref<40x128xi32, #tpu.memory_space<hbm>>
      %dma_wait3A_67 = arith.constant 0 : i32
      %dma_wait3A_68 = arith.constant 0 : i32
      %dma_wait3A_69 = tpu.memref_slice %arg3[%run_scoped3A, %add3A, %dma_wait3A_67, %dma_wait3A_68] : memref<2x32x80x128xi32, #tpu.memory_space<hbm>> -> memref<1x1x40x128xi32, #tpu.memory_space<hbm>>
      %dma_wait3A_70 = tpu.memref_squeeze %dma_wait3A_69 : memref<1x1x40x128xi32, #tpu.memory_space<hbm>> -> memref<40x128xi32, #tpu.memory_space<hbm>>
      tpu.wait_dma2 semaphore(%run_scoped3A_54 : memref<!tpu.dma_semaphore, #tpu.memory_space<semaphore_mem>>) src(%dma_wait3A_70 : memref<40x128xi32, #tpu.memory_space<hbm>>) dst(%arg5 : memref<40x128xi32, #tpu.memory_space<vmem>>)
      tpu.yield
    }) : () -> ()
    %run_scoped3A_10 = arith.constant 1 : i32
    "tpu.region"() ({
      %run_scoped3A_54 = tpu.sem_alloc : memref<!tpu.dma_semaphore, #tpu.memory_space<semaphore_mem>>
      %dma_start3A_55 = arith.constant 0 : i32
      %dma_start3A_56 = arith.constant 0 : i32
      %dma_start3A_57 = tpu.memref_slice %arg3[%run_scoped3A_10, %add3A, %dma_start3A_55, %dma_start3A_56] : memref<2x32x80x128xi32, #tpu.memory_space<hbm>> -> memref<1x1x40x128xi32, #tpu.memory_space<hbm>>
      %dma_start3A_58 = tpu.memref_squeeze %dma_start3A_57 : memref<1x1x40x128xi32, #tpu.memory_space<hbm>> -> memref<40x128xi32, #tpu.memory_space<hbm>>
      %dma_start3A_59 = arith.constant 0 : i32
      %dma_start3A_60 = arith.constant 0 : i32
      %dma_start3A_61 = tpu.memref_slice %arg3[%run_scoped3A_10, %add3A, %dma_start3A_59, %dma_start3A_60] : memref<2x32x80x128xi32, #tpu.memory_space<hbm>> -> memref<1x1x40x128xi32, #tpu.memory_space<hbm>>
      %dma_start3A_62 = tpu.memref_squeeze %dma_start3A_61 : memref<1x1x40x128xi32, #tpu.memory_space<hbm>> -> memref<40x128xi32, #tpu.memory_space<hbm>>
      tpu.enqueue_dma source(%dma_start3A_62 : memref<40x128xi32, #tpu.memory_space<hbm>>) target(%arg6 : memref<40x128xi32, #tpu.memory_space<vmem>>) target_semaphore(%run_scoped3A_54 : memref<!tpu.dma_semaphore, #tpu.memory_space<semaphore_mem>>)
      %dma_wait3A_63 = arith.constant 0 : i32
      %dma_wait3A_64 = arith.constant 0 : i32
      %dma_wait3A_65 = tpu.memref_slice %arg3[%run_scoped3A_10, %add3A, %dma_wait3A_63, %dma_wait3A_64] : memref<2x32x80x128xi32, #tpu.memory_space<hbm>> -> memref<1x1x40x128xi32, #tpu.memory_space<hbm>>
      %dma_wait3A_66 = tpu.memref_squeeze %dma_wait3A_65 : memref<1x1x40x128xi32, #tpu.memory_space<hbm>> -> memref<40x128xi32, #tpu.memory_space<hbm>>
      %dma_wait3A_67 = arith.constant 0 : i32
      %dma_wait3A_68 = arith.constant 0 : i32
      %dma_wait3A_69 = tpu.memref_slice %arg3[%run_scoped3A_10, %add3A, %dma_wait3A_67, %dma_wait3A_68] : memref<2x32x80x128xi32, #tpu.memory_space<hbm>> -> memref<1x1x40x128xi32, #tpu.memory_space<hbm>>
      %dma_wait3A_70 = tpu.memref_squeeze %dma_wait3A_69 : memref<1x1x40x128xi32, #tpu.memory_space<hbm>> -> memref<40x128xi32, #tpu.memory_space<hbm>>
      tpu.wait_dma2 semaphore(%run_scoped3A_54 : memref<!tpu.dma_semaphore, #tpu.memory_space<semaphore_mem>>) src(%dma_wait3A_70 : memref<40x128xi32, #tpu.memory_space<hbm>>) dst(%arg6 : memref<40x128xi32, #tpu.memory_space<vmem>>)
      tpu.yield
    }) : () -> ()
    %dma_start3A = arith.constant 0 : i32
    %dma_start3A_11 = arith.constant 0 : i32
    %dma_start3A_12 = tpu.memref_slice %arg5[%dma_start3A, %dma_start3A_11] : memref<40x128xi32, #tpu.memory_space<vmem>> -> memref<1x128xi32, #tpu.memory_space<vmem>>
    %dma_start3A_13 = tpu.memref_squeeze %dma_start3A_12 : memref<1x128xi32, #tpu.memory_space<vmem>> -> memref<128xi32, #tpu.memory_space<vmem>>
    %dma_start3A_14 = arith.constant 0 : i32
    %dma_start3A_15 = arith.constant 0 : i32
    %dma_start3A_16 = tpu.memref_slice %arg2[%dma_start3A_14, %dma_start3A_15] : memref<10240x128xf32, #tpu.memory_space<hbm>> -> memref<10240x128xf32, #tpu.memory_space<hbm>>
    tpu.enqueue_indirect_dma source(%dma_start3A_16 : memref<10240x128xf32, #tpu.memory_space<hbm>>) target(%arg7 : memref<128x128xf32, #tpu.memory_space<vmem>>) offsets(%dma_start3A_13 : memref<128xi32, #tpu.memory_space<vmem>>) semaphore(%arg10 : memref<!tpu.dma_semaphore, #tpu.memory_space<semaphore_mem>>)
    %barrier3A = arith.constant 0 : index
    tpu.barrier barrier_id(%barrier3A)
    %scan3A_17 = arith.constant 0 : i32
    %scan3A_18 = arith.constant 20 : i32
    %scan3A_19 = arith.addi %scan3A_17, %scan3A_18 : i32
    %scan3A_20 = arith.constant 1 : i32
    scf.for %scan3A_54 = %scan3A_17 to %scan3A_19 step %scan3A_20  : i32 {
      %mul3A_55 = arith.constant 2 : i32
      %mul3A_56 = arith.muli %scan3A_54, %mul3A_55 : i32
      %add3A_57 = arith.constant 0 : i32
      %add3A_58 = arith.addi %mul3A_56, %add3A_57 : i32
      %ge3A = arith.constant 1 : i32
      %ge3A_59 = arith.cmpi sge, %add3A_58, %ge3A : i32
      %convert_element_type3A = arith.extui %ge3A_59 : i1 to i32
      %cond3A = arith.constant 0 : i32
      %cond3A_60 = arith.cmpi ne, %convert_element_type3A, %cond3A : i32
      scf.if %cond3A_60 {
        %sub3A = arith.constant 1 : i32
        %sub3A_107 = arith.subi %add3A_58, %sub3A : i32
        %dma_wait3A_108 = arith.constant 0 : i32
        %dma_wait3A_109 = tpu.memref_slice %arg6[%sub3A_107, %dma_wait3A_108] : memref<40x128xi32, #tpu.memory_space<vmem>> -> memref<1x128xi32, #tpu.memory_space<vmem>>
        %dma_wait3A_110 = tpu.memref_squeeze %dma_wait3A_109 : memref<1x128xi32, #tpu.memory_space<vmem>> -> memref<128xi32, #tpu.memory_space<vmem>>
        %dma_wait3A_111 = arith.constant 0 : i32
        %dma_wait3A_112 = arith.constant 0 : i32
        %dma_wait3A_113 = tpu.memref_slice %arg9[%dma_wait3A_111, %dma_wait3A_112] : memref<10240x128xf32, #tpu.memory_space<vmem_shared>> -> memref<10240x128xf32, #tpu.memory_space<vmem_shared>>
        tpu.wait_indirect_dma semaphore(%arg13 : memref<!tpu.dma_semaphore, #tpu.memory_space<semaphore_mem>>) src(%arg8 : memref<128x128xf32, #tpu.memory_space<vmem>>) dst(%dma_wait3A_113 : memref<10240x128xf32, #tpu.memory_space<vmem_shared>>)
      } else {
      }
      %add3A_61 = arith.constant 1 : i32
      %add3A_62 = arith.addi %add3A_58, %add3A_61 : i32
      %lt3A = arith.constant 40 : i32
      %lt3A_63 = arith.cmpi slt, %add3A_62, %lt3A : i32
      %convert_element_type3A_64 = arith.extui %lt3A_63 : i1 to i32
      %cond3A_65 = arith.constant 0 : i32
      %cond3A_66 = arith.cmpi ne, %convert_element_type3A_64, %cond3A_65 : i32
      scf.if %cond3A_66 {
        %add3A_107 = arith.constant 1 : i32
        %add3A_108 = arith.addi %add3A_58, %add3A_107 : i32
        %dma_start3A_109 = arith.constant 0 : i32
        %dma_start3A_110 = tpu.memref_slice %arg5[%add3A_108, %dma_start3A_109] : memref<40x128xi32, #tpu.memory_space<vmem>> -> memref<1x128xi32, #tpu.memory_space<vmem>>
        %dma_start3A_111 = tpu.memref_squeeze %dma_start3A_110 : memref<1x128xi32, #tpu.memory_space<vmem>> -> memref<128xi32, #tpu.memory_space<vmem>>
        %dma_start3A_112 = arith.constant 0 : i32
        %dma_start3A_113 = arith.constant 0 : i32
        %dma_start3A_114 = tpu.memref_slice %arg2[%dma_start3A_112, %dma_start3A_113] : memref<10240x128xf32, #tpu.memory_space<hbm>> -> memref<10240x128xf32, #tpu.memory_space<hbm>>
        tpu.enqueue_indirect_dma source(%dma_start3A_114 : memref<10240x128xf32, #tpu.memory_space<hbm>>) target(%arg8 : memref<128x128xf32, #tpu.memory_space<vmem>>) offsets(%dma_start3A_111 : memref<128xi32, #tpu.memory_space<vmem>>) semaphore(%arg11 : memref<!tpu.dma_semaphore, #tpu.memory_space<semaphore_mem>>)
      } else {
      }
      %dma_wait3A_67 = arith.constant 0 : i32
      %dma_wait3A_68 = tpu.memref_slice %arg5[%add3A_58, %dma_wait3A_67] : memref<40x128xi32, #tpu.memory_space<vmem>> -> memref<1x128xi32, #tpu.memory_space<vmem>>
      %dma_wait3A_69 = tpu.memref_squeeze %dma_wait3A_68 : memref<1x128xi32, #tpu.memory_space<vmem>> -> memref<128xi32, #tpu.memory_space<vmem>>
      %dma_wait3A_70 = arith.constant 0 : i32
      %dma_wait3A_71 = arith.constant 0 : i32
      %dma_wait3A_72 = tpu.memref_slice %arg2[%dma_wait3A_70, %dma_wait3A_71] : memref<10240x128xf32, #tpu.memory_space<hbm>> -> memref<10240x128xf32, #tpu.memory_space<hbm>>
      tpu.wait_indirect_dma semaphore(%arg10 : memref<!tpu.dma_semaphore, #tpu.memory_space<semaphore_mem>>) src(%dma_wait3A_72 : memref<10240x128xf32, #tpu.memory_space<hbm>>) dst(%arg7 : memref<128x128xf32, #tpu.memory_space<vmem>>)
      %dma_start3A_73 = arith.constant 0 : i32
      %dma_start3A_74 = tpu.memref_slice %arg6[%add3A_58, %dma_start3A_73] : memref<40x128xi32, #tpu.memory_space<vmem>> -> memref<1x128xi32, #tpu.memory_space<vmem>>
      %dma_start3A_75 = tpu.memref_squeeze %dma_start3A_74 : memref<1x128xi32, #tpu.memory_space<vmem>> -> memref<128xi32, #tpu.memory_space<vmem>>
      %dma_start3A_76 = arith.constant 0 : i32
      %dma_start3A_77 = arith.constant 0 : i32
      %dma_start3A_78 = tpu.memref_slice %arg9[%dma_start3A_76, %dma_start3A_77] : memref<10240x128xf32, #tpu.memory_space<vmem_shared>> -> memref<10240x128xf32, #tpu.memory_space<vmem_shared>>
      tpu.enqueue_indirect_dma source(%arg7 : memref<128x128xf32, #tpu.memory_space<vmem>>) target(%dma_start3A_78 : memref<10240x128xf32, #tpu.memory_space<vmem_shared>>) offsets(%dma_start3A_75 : memref<128xi32, #tpu.memory_space<vmem>>) semaphore(%arg12 : memref<!tpu.dma_semaphore, #tpu.memory_space<semaphore_mem>>) {add = true}
      %mul3A_79 = arith.constant 2 : i32
      %mul3A_80 = arith.muli %scan3A_54, %mul3A_79 : i32
      %add3A_81 = arith.constant 1 : i32
      %add3A_82 = arith.addi %mul3A_80, %add3A_81 : i32
      %ge3A_83 = arith.constant 1 : i32
      %ge3A_84 = arith.cmpi sge, %add3A_82, %ge3A_83 : i32
      %convert_element_type3A_85 = arith.extui %ge3A_84 : i1 to i32
      %cond3A_86 = arith.constant 0 : i32
      %cond3A_87 = arith.cmpi ne, %convert_element_type3A_85, %cond3A_86 : i32
      scf.if %cond3A_87 {
        %sub3A = arith.constant 1 : i32
        %sub3A_107 = arith.subi %add3A_82, %sub3A : i32
        %dma_wait3A_108 = arith.constant 0 : i32
        %dma_wait3A_109 = tpu.memref_slice %arg6[%sub3A_107, %dma_wait3A_108] : memref<40x128xi32, #tpu.memory_space<vmem>> -> memref<1x128xi32, #tpu.memory_space<vmem>>
        %dma_wait3A_110 = tpu.memref_squeeze %dma_wait3A_109 : memref<1x128xi32, #tpu.memory_space<vmem>> -> memref<128xi32, #tpu.memory_space<vmem>>
        %dma_wait3A_111 = arith.constant 0 : i32
        %dma_wait3A_112 = arith.constant 0 : i32
        %dma_wait3A_113 = tpu.memref_slice %arg9[%dma_wait3A_111, %dma_wait3A_112] : memref<10240x128xf32, #tpu.memory_space<vmem_shared>> -> memref<10240x128xf32, #tpu.memory_space<vmem_shared>>
        tpu.wait_indirect_dma semaphore(%arg12 : memref<!tpu.dma_semaphore, #tpu.memory_space<semaphore_mem>>) src(%arg7 : memref<128x128xf32, #tpu.memory_space<vmem>>) dst(%dma_wait3A_113 : memref<10240x128xf32, #tpu.memory_space<vmem_shared>>)
      } else {
      }
      %add3A_88 = arith.constant 1 : i32
      %add3A_89 = arith.addi %add3A_82, %add3A_88 : i32
      %lt3A_90 = arith.constant 40 : i32
      %lt3A_91 = arith.cmpi slt, %add3A_89, %lt3A_90 : i32
      %convert_element_type3A_92 = arith.extui %lt3A_91 : i1 to i32
      %cond3A_93 = arith.constant 0 : i32
      %cond3A_94 = arith.cmpi ne, %convert_element_type3A_92, %cond3A_93 : i32
      scf.if %cond3A_94 {
        %add3A_107 = arith.constant 1 : i32
        %add3A_108 = arith.addi %add3A_82, %add3A_107 : i32
        %dma_start3A_109 = arith.constant 0 : i32
        %dma_start3A_110 = tpu.memref_slice %arg5[%add3A_108, %dma_start3A_109] : memref<40x128xi32, #tpu.memory_space<vmem>> -> memref<1x128xi32, #tpu.memory_space<vmem>>
        %dma_start3A_111 = tpu.memref_squeeze %dma_start3A_110 : memref<1x128xi32, #tpu.memory_space<vmem>> -> memref<128xi32, #tpu.memory_space<vmem>>
        %dma_start3A_112 = arith.constant 0 : i32
        %dma_start3A_113 = arith.constant 0 : i32
        %dma_start3A_114 = tpu.memref_slice %arg2[%dma_start3A_112, %dma_start3A_113] : memref<10240x128xf32, #tpu.memory_space<hbm>> -> memref<10240x128xf32, #tpu.memory_space<hbm>>
        tpu.enqueue_indirect_dma source(%dma_start3A_114 : memref<10240x128xf32, #tpu.memory_space<hbm>>) target(%arg7 : memref<128x128xf32, #tpu.memory_space<vmem>>) offsets(%dma_start3A_111 : memref<128xi32, #tpu.memory_space<vmem>>) semaphore(%arg10 : memref<!tpu.dma_semaphore, #tpu.memory_space<semaphore_mem>>)
      } else {
      }
      %dma_wait3A_95 = arith.constant 0 : i32
      %dma_wait3A_96 = tpu.memref_slice %arg5[%add3A_82, %dma_wait3A_95] : memref<40x128xi32, #tpu.memory_space<vmem>> -> memref<1x128xi32, #tpu.memory_space<vmem>>
      %dma_wait3A_97 = tpu.memref_squeeze %dma_wait3A_96 : memref<1x128xi32, #tpu.memory_space<vmem>> -> memref<128xi32, #tpu.memory_space<vmem>>
      %dma_wait3A_98 = arith.constant 0 : i32
      %dma_wait3A_99 = arith.constant 0 : i32
      %dma_wait3A_100 = tpu.memref_slice %arg2[%dma_wait3A_98, %dma_wait3A_99] : memref<10240x128xf32, #tpu.memory_space<hbm>> -> memref<10240x128xf32, #tpu.memory_space<hbm>>
      tpu.wait_indirect_dma semaphore(%arg11 : memref<!tpu.dma_semaphore, #tpu.memory_space<semaphore_mem>>) src(%dma_wait3A_100 : memref<10240x128xf32, #tpu.memory_space<hbm>>) dst(%arg8 : memref<128x128xf32, #tpu.memory_space<vmem>>)
      %dma_start3A_101 = arith.constant 0 : i32
      %dma_start3A_102 = tpu.memref_slice %arg6[%add3A_82, %dma_start3A_101] : memref<40x128xi32, #tpu.memory_space<vmem>> -> memref<1x128xi32, #tpu.memory_space<vmem>>
      %dma_start3A_103 = tpu.memref_squeeze %dma_start3A_102 : memref<1x128xi32, #tpu.memory_space<vmem>> -> memref<128xi32, #tpu.memory_space<vmem>>
      %dma_start3A_104 = arith.constant 0 : i32
      %dma_start3A_105 = arith.constant 0 : i32
      %dma_start3A_106 = tpu.memref_slice %arg9[%dma_start3A_104, %dma_start3A_105] : memref<10240x128xf32, #tpu.memory_space<vmem_shared>> -> memref<10240x128xf32, #tpu.memory_space<vmem_shared>>
      tpu.enqueue_indirect_dma source(%arg8 : memref<128x128xf32, #tpu.memory_space<vmem>>) target(%dma_start3A_106 : memref<10240x128xf32, #tpu.memory_space<vmem_shared>>) offsets(%dma_start3A_103 : memref<128xi32, #tpu.memory_space<vmem>>) semaphore(%arg13 : memref<!tpu.dma_semaphore, #tpu.memory_space<semaphore_mem>>) {add = true}
    }
    %scan3A_21 = arith.constant 20 : i32
    %dma_wait3A = arith.constant 39 : i32
    %dma_wait3A_22 = arith.constant 0 : i32
    %dma_wait3A_23 = tpu.memref_slice %arg6[%dma_wait3A, %dma_wait3A_22] : memref<40x128xi32, #tpu.memory_space<vmem>> -> memref<1x128xi32, #tpu.memory_space<vmem>>
    %dma_wait3A_24 = tpu.memref_squeeze %dma_wait3A_23 : memref<1x128xi32, #tpu.memory_space<vmem>> -> memref<128xi32, #tpu.memory_space<vmem>>
    %dma_wait3A_25 = arith.constant 0 : i32
    %dma_wait3A_26 = arith.constant 0 : i32
    %dma_wait3A_27 = tpu.memref_slice %arg9[%dma_wait3A_25, %dma_wait3A_26] : memref<10240x128xf32, #tpu.memory_space<vmem_shared>> -> memref<10240x128xf32, #tpu.memory_space<vmem_shared>>
    tpu.wait_indirect_dma semaphore(%arg13 : memref<!tpu.dma_semaphore, #tpu.memory_space<semaphore_mem>>) src(%arg8 : memref<128x128xf32, #tpu.memory_space<vmem>>) dst(%dma_wait3A_27 : memref<10240x128xf32, #tpu.memory_space<vmem_shared>>)
    %run_scoped3A_28 = arith.constant 0 : i32
    "tpu.region"() ({
      %run_scoped3A_54 = tpu.sem_alloc : memref<!tpu.dma_semaphore, #tpu.memory_space<semaphore_mem>>
      %dma_start3A_55 = arith.constant 40 : i32
      %dma_start3A_56 = arith.constant 0 : i32
      %dma_start3A_57 = tpu.memref_slice %arg3[%run_scoped3A_28, %add3A, %dma_start3A_55, %dma_start3A_56] : memref<2x32x80x128xi32, #tpu.memory_space<hbm>> -> memref<1x1x40x128xi32, #tpu.memory_space<hbm>>
      %dma_start3A_58 = tpu.memref_squeeze %dma_start3A_57 : memref<1x1x40x128xi32, #tpu.memory_space<hbm>> -> memref<40x128xi32, #tpu.memory_space<hbm>>
      %dma_start3A_59 = arith.constant 40 : i32
      %dma_start3A_60 = arith.constant 0 : i32
      %dma_start3A_61 = tpu.memref_slice %arg3[%run_scoped3A_28, %add3A, %dma_start3A_59, %dma_start3A_60] : memref<2x32x80x128xi32, #tpu.memory_space<hbm>> -> memref<1x1x40x128xi32, #tpu.memory_space<hbm>>
      %dma_start3A_62 = tpu.memref_squeeze %dma_start3A_61 : memref<1x1x40x128xi32, #tpu.memory_space<hbm>> -> memref<40x128xi32, #tpu.memory_space<hbm>>
      tpu.enqueue_dma source(%dma_start3A_62 : memref<40x128xi32, #tpu.memory_space<hbm>>) target(%arg5 : memref<40x128xi32, #tpu.memory_space<vmem>>) target_semaphore(%run_scoped3A_54 : memref<!tpu.dma_semaphore, #tpu.memory_space<semaphore_mem>>)
      %dma_wait3A_63 = arith.constant 40 : i32
      %dma_wait3A_64 = arith.constant 0 : i32
      %dma_wait3A_65 = tpu.memref_slice %arg3[%run_scoped3A_28, %add3A, %dma_wait3A_63, %dma_wait3A_64] : memref<2x32x80x128xi32, #tpu.memory_space<hbm>> -> memref<1x1x40x128xi32, #tpu.memory_space<hbm>>
      %dma_wait3A_66 = tpu.memref_squeeze %dma_wait3A_65 : memref<1x1x40x128xi32, #tpu.memory_space<hbm>> -> memref<40x128xi32, #tpu.memory_space<hbm>>
      %dma_wait3A_67 = arith.constant 40 : i32
      %dma_wait3A_68 = arith.constant 0 : i32
      %dma_wait3A_69 = tpu.memref_slice %arg3[%run_scoped3A_28, %add3A, %dma_wait3A_67, %dma_wait3A_68] : memref<2x32x80x128xi32, #tpu.memory_space<hbm>> -> memref<1x1x40x128xi32, #tpu.memory_space<hbm>>
      %dma_wait3A_70 = tpu.memref_squeeze %dma_wait3A_69 : memref<1x1x40x128xi32, #tpu.memory_space<hbm>> -> memref<40x128xi32, #tpu.memory_space<hbm>>
      tpu.wait_dma2 semaphore(%run_scoped3A_54 : memref<!tpu.dma_semaphore, #tpu.memory_space<semaphore_mem>>) src(%dma_wait3A_70 : memref<40x128xi32, #tpu.memory_space<hbm>>) dst(%arg5 : memref<40x128xi32, #tpu.memory_space<vmem>>)
      tpu.yield
    }) : () -> ()
    %run_scoped3A_29 = arith.constant 1 : i32
    "tpu.region"() ({
      %run_scoped3A_54 = tpu.sem_alloc : memref<!tpu.dma_semaphore, #tpu.memory_space<semaphore_mem>>
      %dma_start3A_55 = arith.constant 40 : i32
      %dma_start3A_56 = arith.constant 0 : i32
      %dma_start3A_57 = tpu.memref_slice %arg3[%run_scoped3A_29, %add3A, %dma_start3A_55, %dma_start3A_56] : memref<2x32x80x128xi32, #tpu.memory_space<hbm>> -> memref<1x1x40x128xi32, #tpu.memory_space<hbm>>
      %dma_start3A_58 = tpu.memref_squeeze %dma_start3A_57 : memref<1x1x40x128xi32, #tpu.memory_space<hbm>> -> memref<40x128xi32, #tpu.memory_space<hbm>>
      %dma_start3A_59 = arith.constant 40 : i32
      %dma_start3A_60 = arith.constant 0 : i32
      %dma_start3A_61 = tpu.memref_slice %arg3[%run_scoped3A_29, %add3A, %dma_start3A_59, %dma_start3A_60] : memref<2x32x80x128xi32, #tpu.memory_space<hbm>> -> memref<1x1x40x128xi32, #tpu.memory_space<hbm>>
      %dma_start3A_62 = tpu.memref_squeeze %dma_start3A_61 : memref<1x1x40x128xi32, #tpu.memory_space<hbm>> -> memref<40x128xi32, #tpu.memory_space<hbm>>
      tpu.enqueue_dma source(%dma_start3A_62 : memref<40x128xi32, #tpu.memory_space<hbm>>) target(%arg6 : memref<40x128xi32, #tpu.memory_space<vmem>>) target_semaphore(%run_scoped3A_54 : memref<!tpu.dma_semaphore, #tpu.memory_space<semaphore_mem>>)
      %dma_wait3A_63 = arith.constant 40 : i32
      %dma_wait3A_64 = arith.constant 0 : i32
      %dma_wait3A_65 = tpu.memref_slice %arg3[%run_scoped3A_29, %add3A, %dma_wait3A_63, %dma_wait3A_64] : memref<2x32x80x128xi32, #tpu.memory_space<hbm>> -> memref<1x1x40x128xi32, #tpu.memory_space<hbm>>
      %dma_wait3A_66 = tpu.memref_squeeze %dma_wait3A_65 : memref<1x1x40x128xi32, #tpu.memory_space<hbm>> -> memref<40x128xi32, #tpu.memory_space<hbm>>
      %dma_wait3A_67 = arith.constant 40 : i32
      %dma_wait3A_68 = arith.constant 0 : i32
      %dma_wait3A_69 = tpu.memref_slice %arg3[%run_scoped3A_29, %add3A, %dma_wait3A_67, %dma_wait3A_68] : memref<2x32x80x128xi32, #tpu.memory_space<hbm>> -> memref<1x1x40x128xi32, #tpu.memory_space<hbm>>
      %dma_wait3A_70 = tpu.memref_squeeze %dma_wait3A_69 : memref<1x1x40x128xi32, #tpu.memory_space<hbm>> -> memref<40x128xi32, #tpu.memory_space<hbm>>
      tpu.wait_dma2 semaphore(%run_scoped3A_54 : memref<!tpu.dma_semaphore, #tpu.memory_space<semaphore_mem>>) src(%dma_wait3A_70 : memref<40x128xi32, #tpu.memory_space<hbm>>) dst(%arg6 : memref<40x128xi32, #tpu.memory_space<vmem>>)
      tpu.yield
    }) : () -> ()
    %dma_start3A_30 = arith.constant 0 : i32
    %dma_start3A_31 = arith.constant 0 : i32
    %dma_start3A_32 = tpu.memref_slice %arg5[%dma_start3A_30, %dma_start3A_31] : memref<40x128xi32, #tpu.memory_space<vmem>> -> memref<1x128xi32, #tpu.memory_space<vmem>>
    %dma_start3A_33 = tpu.memref_squeeze %dma_start3A_32 : memref<1x128xi32, #tpu.memory_space<vmem>> -> memref<128xi32, #tpu.memory_space<vmem>>
    %dma_start3A_34 = arith.constant 0 : i32
    %dma_start3A_35 = arith.constant 0 : i32
    %dma_start3A_36 = tpu.memref_slice %arg2[%dma_start3A_34, %dma_start3A_35] : memref<10240x128xf32, #tpu.memory_space<hbm>> -> memref<10240x128xf32, #tpu.memory_space<hbm>>
    tpu.enqueue_indirect_dma source(%dma_start3A_36 : memref<10240x128xf32, #tpu.memory_space<hbm>>) target(%arg7 : memref<128x128xf32, #tpu.memory_space<vmem>>) offsets(%dma_start3A_33 : memref<128xi32, #tpu.memory_space<vmem>>) semaphore(%arg10 : memref<!tpu.dma_semaphore, #tpu.memory_space<semaphore_mem>>)
    %scan3A_37 = arith.constant 0 : i32
    %scan3A_38 = arith.constant 20 : i32
    %scan3A_39 = arith.addi %scan3A_37, %scan3A_38 : i32
    %scan3A_40 = arith.constant 1 : i32
    scf.for %scan3A_54 = %scan3A_37 to %scan3A_39 step %scan3A_40  : i32 {
      %mul3A_55 = arith.constant 2 : i32
      %mul3A_56 = arith.muli %scan3A_54, %mul3A_55 : i32
      %add3A_57 = arith.constant 0 : i32
      %add3A_58 = arith.addi %mul3A_56, %add3A_57 : i32
      %ge3A = arith.constant 1 : i32
      %ge3A_59 = arith.cmpi sge, %add3A_58, %ge3A : i32
      %convert_element_type3A = arith.extui %ge3A_59 : i1 to i32
      %cond3A = arith.constant 0 : i32
      %cond3A_60 = arith.cmpi ne, %convert_element_type3A, %cond3A : i32
      scf.if %cond3A_60 {
        %sub3A = arith.constant 1 : i32
        %sub3A_107 = arith.subi %add3A_58, %sub3A : i32
        %dma_wait3A_108 = arith.constant 0 : i32
        %dma_wait3A_109 = tpu.memref_slice %arg6[%sub3A_107, %dma_wait3A_108] : memref<40x128xi32, #tpu.memory_space<vmem>> -> memref<1x128xi32, #tpu.memory_space<vmem>>
        %dma_wait3A_110 = tpu.memref_squeeze %dma_wait3A_109 : memref<1x128xi32, #tpu.memory_space<vmem>> -> memref<128xi32, #tpu.memory_space<vmem>>
        %dma_wait3A_111 = arith.constant 0 : i32
        %dma_wait3A_112 = arith.constant 0 : i32
        %dma_wait3A_113 = tpu.memref_slice %arg9[%dma_wait3A_111, %dma_wait3A_112] : memref<10240x128xf32, #tpu.memory_space<vmem_shared>> -> memref<10240x128xf32, #tpu.memory_space<vmem_shared>>
        tpu.wait_indirect_dma semaphore(%arg13 : memref<!tpu.dma_semaphore, #tpu.memory_space<semaphore_mem>>) src(%arg8 : memref<128x128xf32, #tpu.memory_space<vmem>>) dst(%dma_wait3A_113 : memref<10240x128xf32, #tpu.memory_space<vmem_shared>>)
      } else {
      }
      %add3A_61 = arith.constant 1 : i32
      %add3A_62 = arith.addi %add3A_58, %add3A_61 : i32
      %lt3A = arith.constant 40 : i32
      %lt3A_63 = arith.cmpi slt, %add3A_62, %lt3A : i32
      %convert_element_type3A_64 = arith.extui %lt3A_63 : i1 to i32
      %cond3A_65 = arith.constant 0 : i32
      %cond3A_66 = arith.cmpi ne, %convert_element_type3A_64, %cond3A_65 : i32
      scf.if %cond3A_66 {
        %add3A_107 = arith.constant 1 : i32
        %add3A_108 = arith.addi %add3A_58, %add3A_107 : i32
        %dma_start3A_109 = arith.constant 0 : i32
        %dma_start3A_110 = tpu.memref_slice %arg5[%add3A_108, %dma_start3A_109] : memref<40x128xi32, #tpu.memory_space<vmem>> -> memref<1x128xi32, #tpu.memory_space<vmem>>
        %dma_start3A_111 = tpu.memref_squeeze %dma_start3A_110 : memref<1x128xi32, #tpu.memory_space<vmem>> -> memref<128xi32, #tpu.memory_space<vmem>>
        %dma_start3A_112 = arith.constant 0 : i32
        %dma_start3A_113 = arith.constant 0 : i32
        %dma_start3A_114 = tpu.memref_slice %arg2[%dma_start3A_112, %dma_start3A_113] : memref<10240x128xf32, #tpu.memory_space<hbm>> -> memref<10240x128xf32, #tpu.memory_space<hbm>>
        tpu.enqueue_indirect_dma source(%dma_start3A_114 : memref<10240x128xf32, #tpu.memory_space<hbm>>) target(%arg8 : memref<128x128xf32, #tpu.memory_space<vmem>>) offsets(%dma_start3A_111 : memref<128xi32, #tpu.memory_space<vmem>>) semaphore(%arg11 : memref<!tpu.dma_semaphore, #tpu.memory_space<semaphore_mem>>)
      } else {
      }
      %dma_wait3A_67 = arith.constant 0 : i32
      %dma_wait3A_68 = tpu.memref_slice %arg5[%add3A_58, %dma_wait3A_67] : memref<40x128xi32, #tpu.memory_space<vmem>> -> memref<1x128xi32, #tpu.memory_space<vmem>>
      %dma_wait3A_69 = tpu.memref_squeeze %dma_wait3A_68 : memref<1x128xi32, #tpu.memory_space<vmem>> -> memref<128xi32, #tpu.memory_space<vmem>>
      %dma_wait3A_70 = arith.constant 0 : i32
      %dma_wait3A_71 = arith.constant 0 : i32
      %dma_wait3A_72 = tpu.memref_slice %arg2[%dma_wait3A_70, %dma_wait3A_71] : memref<10240x128xf32, #tpu.memory_space<hbm>> -> memref<10240x128xf32, #tpu.memory_space<hbm>>
      tpu.wait_indirect_dma semaphore(%arg10 : memref<!tpu.dma_semaphore, #tpu.memory_space<semaphore_mem>>) src(%dma_wait3A_72 : memref<10240x128xf32, #tpu.memory_space<hbm>>) dst(%arg7 : memref<128x128xf32, #tpu.memory_space<vmem>>)
      %dma_start3A_73 = arith.constant 0 : i32
      %dma_start3A_74 = tpu.memref_slice %arg6[%add3A_58, %dma_start3A_73] : memref<40x128xi32, #tpu.memory_space<vmem>> -> memref<1x128xi32, #tpu.memory_space<vmem>>
      %dma_start3A_75 = tpu.memref_squeeze %dma_start3A_74 : memref<1x128xi32, #tpu.memory_space<vmem>> -> memref<128xi32, #tpu.memory_space<vmem>>
      %dma_start3A_76 = arith.constant 0 : i32
      %dma_start3A_77 = arith.constant 0 : i32
      %dma_start3A_78 = tpu.memref_slice %arg9[%dma_start3A_76, %dma_start3A_77] : memref<10240x128xf32, #tpu.memory_space<vmem_shared>> -> memref<10240x128xf32, #tpu.memory_space<vmem_shared>>
      tpu.enqueue_indirect_dma source(%arg7 : memref<128x128xf32, #tpu.memory_space<vmem>>) target(%dma_start3A_78 : memref<10240x128xf32, #tpu.memory_space<vmem_shared>>) offsets(%dma_start3A_75 : memref<128xi32, #tpu.memory_space<vmem>>) semaphore(%arg12 : memref<!tpu.dma_semaphore, #tpu.memory_space<semaphore_mem>>) {add = true}
      %mul3A_79 = arith.constant 2 : i32
      %mul3A_80 = arith.muli %scan3A_54, %mul3A_79 : i32
      %add3A_81 = arith.constant 1 : i32
      %add3A_82 = arith.addi %mul3A_80, %add3A_81 : i32
      %ge3A_83 = arith.constant 1 : i32
      %ge3A_84 = arith.cmpi sge, %add3A_82, %ge3A_83 : i32
      %convert_element_type3A_85 = arith.extui %ge3A_84 : i1 to i32
      %cond3A_86 = arith.constant 0 : i32
      %cond3A_87 = arith.cmpi ne, %convert_element_type3A_85, %cond3A_86 : i32
      scf.if %cond3A_87 {
        %sub3A = arith.constant 1 : i32
        %sub3A_107 = arith.subi %add3A_82, %sub3A : i32
        %dma_wait3A_108 = arith.constant 0 : i32
        %dma_wait3A_109 = tpu.memref_slice %arg6[%sub3A_107, %dma_wait3A_108] : memref<40x128xi32, #tpu.memory_space<vmem>> -> memref<1x128xi32, #tpu.memory_space<vmem>>
        %dma_wait3A_110 = tpu.memref_squeeze %dma_wait3A_109 : memref<1x128xi32, #tpu.memory_space<vmem>> -> memref<128xi32, #tpu.memory_space<vmem>>
        %dma_wait3A_111 = arith.constant 0 : i32
        %dma_wait3A_112 = arith.constant 0 : i32
        %dma_wait3A_113 = tpu.memref_slice %arg9[%dma_wait3A_111, %dma_wait3A_112] : memref<10240x128xf32, #tpu.memory_space<vmem_shared>> -> memref<10240x128xf32, #tpu.memory_space<vmem_shared>>
        tpu.wait_indirect_dma semaphore(%arg12 : memref<!tpu.dma_semaphore, #tpu.memory_space<semaphore_mem>>) src(%arg7 : memref<128x128xf32, #tpu.memory_space<vmem>>) dst(%dma_wait3A_113 : memref<10240x128xf32, #tpu.memory_space<vmem_shared>>)
      } else {
      }
      %add3A_88 = arith.constant 1 : i32
      %add3A_89 = arith.addi %add3A_82, %add3A_88 : i32
      %lt3A_90 = arith.constant 40 : i32
      %lt3A_91 = arith.cmpi slt, %add3A_89, %lt3A_90 : i32
      %convert_element_type3A_92 = arith.extui %lt3A_91 : i1 to i32
      %cond3A_93 = arith.constant 0 : i32
      %cond3A_94 = arith.cmpi ne, %convert_element_type3A_92, %cond3A_93 : i32
      scf.if %cond3A_94 {
        %add3A_107 = arith.constant 1 : i32
        %add3A_108 = arith.addi %add3A_82, %add3A_107 : i32
        %dma_start3A_109 = arith.constant 0 : i32
        %dma_start3A_110 = tpu.memref_slice %arg5[%add3A_108, %dma_start3A_109] : memref<40x128xi32, #tpu.memory_space<vmem>> -> memref<1x128xi32, #tpu.memory_space<vmem>>
        %dma_start3A_111 = tpu.memref_squeeze %dma_start3A_110 : memref<1x128xi32, #tpu.memory_space<vmem>> -> memref<128xi32, #tpu.memory_space<vmem>>
        %dma_start3A_112 = arith.constant 0 : i32
        %dma_start3A_113 = arith.constant 0 : i32
        %dma_start3A_114 = tpu.memref_slice %arg2[%dma_start3A_112, %dma_start3A_113] : memref<10240x128xf32, #tpu.memory_space<hbm>> -> memref<10240x128xf32, #tpu.memory_space<hbm>>
        tpu.enqueue_indirect_dma source(%dma_start3A_114 : memref<10240x128xf32, #tpu.memory_space<hbm>>) target(%arg7 : memref<128x128xf32, #tpu.memory_space<vmem>>) offsets(%dma_start3A_111 : memref<128xi32, #tpu.memory_space<vmem>>) semaphore(%arg10 : memref<!tpu.dma_semaphore, #tpu.memory_space<semaphore_mem>>)
      } else {
      }
      %dma_wait3A_95 = arith.constant 0 : i32
      %dma_wait3A_96 = tpu.memref_slice %arg5[%add3A_82, %dma_wait3A_95] : memref<40x128xi32, #tpu.memory_space<vmem>> -> memref<1x128xi32, #tpu.memory_space<vmem>>
      %dma_wait3A_97 = tpu.memref_squeeze %dma_wait3A_96 : memref<1x128xi32, #tpu.memory_space<vmem>> -> memref<128xi32, #tpu.memory_space<vmem>>
      %dma_wait3A_98 = arith.constant 0 : i32
      %dma_wait3A_99 = arith.constant 0 : i32
      %dma_wait3A_100 = tpu.memref_slice %arg2[%dma_wait3A_98, %dma_wait3A_99] : memref<10240x128xf32, #tpu.memory_space<hbm>> -> memref<10240x128xf32, #tpu.memory_space<hbm>>
      tpu.wait_indirect_dma semaphore(%arg11 : memref<!tpu.dma_semaphore, #tpu.memory_space<semaphore_mem>>) src(%dma_wait3A_100 : memref<10240x128xf32, #tpu.memory_space<hbm>>) dst(%arg8 : memref<128x128xf32, #tpu.memory_space<vmem>>)
      %dma_start3A_101 = arith.constant 0 : i32
      %dma_start3A_102 = tpu.memref_slice %arg6[%add3A_82, %dma_start3A_101] : memref<40x128xi32, #tpu.memory_space<vmem>> -> memref<1x128xi32, #tpu.memory_space<vmem>>
      %dma_start3A_103 = tpu.memref_squeeze %dma_start3A_102 : memref<1x128xi32, #tpu.memory_space<vmem>> -> memref<128xi32, #tpu.memory_space<vmem>>
      %dma_start3A_104 = arith.constant 0 : i32
      %dma_start3A_105 = arith.constant 0 : i32
      %dma_start3A_106 = tpu.memref_slice %arg9[%dma_start3A_104, %dma_start3A_105] : memref<10240x128xf32, #tpu.memory_space<vmem_shared>> -> memref<10240x128xf32, #tpu.memory_space<vmem_shared>>
      tpu.enqueue_indirect_dma source(%arg8 : memref<128x128xf32, #tpu.memory_space<vmem>>) target(%dma_start3A_106 : memref<10240x128xf32, #tpu.memory_space<vmem_shared>>) offsets(%dma_start3A_103 : memref<128xi32, #tpu.memory_space<vmem>>) semaphore(%arg13 : memref<!tpu.dma_semaphore, #tpu.memory_space<semaphore_mem>>) {add = true}
    }
    %scan3A_41 = arith.constant 20 : i32
    %dma_wait3A_42 = arith.constant 39 : i32
    %dma_wait3A_43 = arith.constant 0 : i32
    %dma_wait3A_44 = tpu.memref_slice %arg6[%dma_wait3A_42, %dma_wait3A_43] : memref<40x128xi32, #tpu.memory_space<vmem>> -> memref<1x128xi32, #tpu.memory_space<vmem>>
    %dma_wait3A_45 = tpu.memref_squeeze %dma_wait3A_44 : memref<1x128xi32, #tpu.memory_space<vmem>> -> memref<128xi32, #tpu.memory_space<vmem>>
    %dma_wait3A_46 = arith.constant 0 : i32
    %dma_wait3A_47 = arith.constant 0 : i32
    %dma_wait3A_48 = tpu.memref_slice %arg9[%dma_wait3A_46, %dma_wait3A_47] : memref<10240x128xf32, #tpu.memory_space<vmem_shared>> -> memref<10240x128xf32, #tpu.memory_space<vmem_shared>>
    tpu.wait_indirect_dma semaphore(%arg13 : memref<!tpu.dma_semaphore, #tpu.memory_space<semaphore_mem>>) src(%arg8 : memref<128x128xf32, #tpu.memory_space<vmem>>) dst(%dma_wait3A_48 : memref<10240x128xf32, #tpu.memory_space<vmem_shared>>)
    %barrier3A_49 = arith.constant 0 : index
    tpu.barrier barrier_id(%barrier3A_49)
    %mul3A_50 = arith.constant 640 : i32
    %mul3A_51 = arith.muli %arg1, %mul3A_50 : i32
    %mul3A_52 = arith.constant 640 : i32
    %mul3A_53 = arith.muli %arg1, %mul3A_52 : i32
    "tpu.region"() ({
      %run_scoped3A_54 = tpu.sem_alloc : memref<!tpu.dma_semaphore, #tpu.memory_space<semaphore_mem>>
      %dma_start3A_55 = arith.constant 0 : i32
      %dma_start3A_56 = tpu.memref_slice %arg4[%arg0, %mul3A_53, %dma_start3A_55] : memref<2x10240x128xf32, #tpu.memory_space<hbm>> -> memref<1x640x128xf32, #tpu.memory_space<hbm>>
      %dma_start3A_57 = tpu.memref_squeeze %dma_start3A_56 : memref<1x640x128xf32, #tpu.memory_space<hbm>> -> memref<640x128xf32, #tpu.memory_space<hbm>>
      %dma_start3A_58 = arith.constant 0 : i32
      %dma_start3A_59 = tpu.memref_slice %arg9[%mul3A_51, %dma_start3A_58] : memref<10240x128xf32, #tpu.memory_space<vmem_shared>> -> memref<640x128xf32, #tpu.memory_space<vmem_shared>>
      tpu.enqueue_dma source(%dma_start3A_59 : memref<640x128xf32, #tpu.memory_space<vmem_shared>>) target(%dma_start3A_57 : memref<640x128xf32, #tpu.memory_space<hbm>>) target_semaphore(%run_scoped3A_54 : memref<!tpu.dma_semaphore, #tpu.memory_space<semaphore_mem>>)
      %dma_wait3A_60 = arith.constant 0 : i32
      %dma_wait3A_61 = tpu.memref_slice %arg4[%arg0, %mul3A_53, %dma_wait3A_60] : memref<2x10240x128xf32, #tpu.memory_space<hbm>> -> memref<1x640x128xf32, #tpu.memory_space<hbm>>
      %dma_wait3A_62 = tpu.memref_squeeze %dma_wait3A_61 : memref<1x640x128xf32, #tpu.memory_space<hbm>> -> memref<640x128xf32, #tpu.memory_space<hbm>>
      %dma_wait3A_63 = arith.constant 0 : i32
      %dma_wait3A_64 = tpu.memref_slice %arg9[%mul3A_51, %dma_wait3A_63] : memref<10240x128xf32, #tpu.memory_space<vmem_shared>> -> memref<640x128xf32, #tpu.memory_space<vmem_shared>>
      tpu.wait_dma2 semaphore(%run_scoped3A_54 : memref<!tpu.dma_semaphore, #tpu.memory_space<semaphore_mem>>) src(%dma_wait3A_64 : memref<640x128xf32, #tpu.memory_space<vmem_shared>>) dst(%dma_wait3A_62 : memref<640x128xf32, #tpu.memory_space<hbm>>)
      tpu.yield
    }) : () -> ()
    return
  }
}

#map = affine_map<(d0, d1) -> (0, 0, 0, 0)>
#map1 = affine_map<(d0, d1) -> (0, 0)>
module attributes {stable_mosaic.version = 14 : i64} {
  func.func @_sc_degree(%arg0: i32, %arg1: i32, %arg2: memref<2x32x80x128xi32, #tpu.memory_space<hbm>>, %arg3: memref<32x10240xf32, #tpu.memory_space<hbm>>, %arg4: memref<80x128xi32, #tpu.memory_space<vmem>>, %arg5: memref<10240xf32, #tpu.memory_space<vmem>>) attributes {dimension_semantics = [#tpu.dimension_semantics<core_parallel>, #tpu.dimension_semantics<subcore_parallel>], iteration_bounds = array<i64: 2, 16>, scalar_prefetch = 0 : i64, scratch_operands = 2 : i64, tpu.core_type = #tpu.core_type<sc_vector_subcore>, window_params = [{transform_indices = #map}, {transform_indices = #map1}]} {
    %mul3A = arith.constant 2 : i32
    %mul3A_0 = arith.muli %arg1, %mul3A : i32
    %add3A = arith.addi %mul3A_0, %arg0 : i32
    %scan3A = arith.constant 0 : i32
    %scan3A_1 = arith.constant 640 : i32
    %scan3A_2 = arith.addi %scan3A, %scan3A_1 : i32
    %scan3A_3 = arith.constant 1 : i32
    scf.for %scan3A_11 = %scan3A to %scan3A_2 step %scan3A_3  : i32 {
      %broadcast_in_dim3A_12 = arith.constant 0.000000e+00 : f32
      %broadcast_in_dim3A_13 = vector.broadcast %broadcast_in_dim3A_12 : f32 to vector<16xf32>
      %mul3A_14 = arith.constant 16 : i32
      %mul3A_15 = arith.muli %scan3A_11, %mul3A_14 : i32
      %swap3A = arith.index_cast %mul3A_15 : i32 to index
      %swap3A_16 = tpu.vector_load %arg5[%swap3A] {strides = array<i32>} : memref<10240xf32, #tpu.memory_space<vmem>>, vector<16xf32>,
      tpu.vector_store %arg5[%swap3A], %broadcast_in_dim3A_13 {strides = array<i32>} : memref<10240xf32, #tpu.memory_space<vmem>>, vector<16xf32>,
    }
    %scan3A_4 = arith.constant 640 : i32
    %run_scoped3A = arith.constant 1 : i32
    "tpu.region"() ({
      %run_scoped3A_11 = tpu.sem_alloc : memref<!tpu.dma_semaphore, #tpu.memory_space<semaphore_mem>>
      %dma_start3A = arith.constant 0 : i32
      %dma_start3A_12 = arith.constant 0 : i32
      %dma_start3A_13 = tpu.memref_slice %arg2[%run_scoped3A, %add3A, %dma_start3A, %dma_start3A_12] : memref<2x32x80x128xi32, #tpu.memory_space<hbm>> -> memref<1x1x80x128xi32, #tpu.memory_space<hbm>>
      %dma_start3A_14 = tpu.memref_squeeze %dma_start3A_13 : memref<1x1x80x128xi32, #tpu.memory_space<hbm>> -> memref<80x128xi32, #tpu.memory_space<hbm>>
      %dma_start3A_15 = arith.constant 0 : i32
      %dma_start3A_16 = arith.constant 0 : i32
      %dma_start3A_17 = tpu.memref_slice %arg2[%run_scoped3A, %add3A, %dma_start3A_15, %dma_start3A_16] : memref<2x32x80x128xi32, #tpu.memory_space<hbm>> -> memref<1x1x80x128xi32, #tpu.memory_space<hbm>>
      %dma_start3A_18 = tpu.memref_squeeze %dma_start3A_17 : memref<1x1x80x128xi32, #tpu.memory_space<hbm>> -> memref<80x128xi32, #tpu.memory_space<hbm>>
      tpu.enqueue_dma source(%dma_start3A_18 : memref<80x128xi32, #tpu.memory_space<hbm>>) target(%arg4 : memref<80x128xi32, #tpu.memory_space<vmem>>) target_semaphore(%run_scoped3A_11 : memref<!tpu.dma_semaphore, #tpu.memory_space<semaphore_mem>>)
      %dma_wait3A = arith.constant 0 : i32
      %dma_wait3A_19 = arith.constant 0 : i32
      %dma_wait3A_20 = tpu.memref_slice %arg2[%run_scoped3A, %add3A, %dma_wait3A, %dma_wait3A_19] : memref<2x32x80x128xi32, #tpu.memory_space<hbm>> -> memref<1x1x80x128xi32, #tpu.memory_space<hbm>>
      %dma_wait3A_21 = tpu.memref_squeeze %dma_wait3A_20 : memref<1x1x80x128xi32, #tpu.memory_space<hbm>> -> memref<80x128xi32, #tpu.memory_space<hbm>>
      %dma_wait3A_22 = arith.constant 0 : i32
      %dma_wait3A_23 = arith.constant 0 : i32
      %dma_wait3A_24 = tpu.memref_slice %arg2[%run_scoped3A, %add3A, %dma_wait3A_22, %dma_wait3A_23] : memref<2x32x80x128xi32, #tpu.memory_space<hbm>> -> memref<1x1x80x128xi32, #tpu.memory_space<hbm>>
      %dma_wait3A_25 = tpu.memref_squeeze %dma_wait3A_24 : memref<1x1x80x128xi32, #tpu.memory_space<hbm>> -> memref<80x128xi32, #tpu.memory_space<hbm>>
      tpu.wait_dma2 semaphore(%run_scoped3A_11 : memref<!tpu.dma_semaphore, #tpu.memory_space<semaphore_mem>>) src(%dma_wait3A_25 : memref<80x128xi32, #tpu.memory_space<hbm>>) dst(%arg4 : memref<80x128xi32, #tpu.memory_space<vmem>>)
      tpu.yield
    }) : () -> ()
    %broadcast_in_dim3A = arith.constant 1.000000e+00 : f32
    %broadcast_in_dim3A_5 = vector.broadcast %broadcast_in_dim3A : f32 to vector<16xf32>
    %scan3A_6 = arith.constant 0 : i32
    %scan3A_7 = arith.constant 80 : i32
    %scan3A_8 = arith.addi %scan3A_6, %scan3A_7 : i32
    %scan3A_9 = arith.constant 1 : i32
    scf.for %scan3A_11 = %scan3A_6 to %scan3A_8 step %scan3A_9  : i32 {
      %scan3A_12 = arith.constant 0 : i32
      %scan3A_13 = arith.constant 8 : i32
      %scan3A_14 = arith.addi %scan3A_12, %scan3A_13 : i32
      %scan3A_15 = arith.constant 1 : i32
      scf.for %scan3A_17 = %scan3A_12 to %scan3A_14 step %scan3A_15  : i32 {
        %mul3A_18 = arith.constant 16 : i32
        %mul3A_19 = arith.muli %scan3A_17, %mul3A_18 : i32
        %get3A = arith.index_cast %scan3A_11 : i32 to index
        %get3A_20 = arith.index_cast %mul3A_19 : i32 to index
        %get3A_21 = tpu.vector_load %arg4[%get3A, %get3A_20] {strides = array<i32>} : memref<80x128xi32, #tpu.memory_space<vmem>>, vector<16xi32>,
        tpu.vector_store_idx %arg5[%get3A_21], %broadcast_in_dim3A_5 {add = true} : memref<10240xf32, #tpu.memory_space<vmem>>[vector<16xi32>], vector<16xf32>,
      }
      %scan3A_16 = arith.constant 8 : i32
    }
    %scan3A_10 = arith.constant 80 : i32
    "tpu.region"() ({
      %run_scoped3A_11 = tpu.sem_alloc : memref<!tpu.dma_semaphore, #tpu.memory_space<semaphore_mem>>
      %dma_start3A = arith.constant 0 : i32
      %dma_start3A_12 = tpu.memref_slice %arg3[%add3A, %dma_start3A] : memref<32x10240xf32, #tpu.memory_space<hbm>> -> memref<1x10240xf32, #tpu.memory_space<hbm>>
      %dma_start3A_13 = tpu.memref_squeeze %dma_start3A_12 : memref<1x10240xf32, #tpu.memory_space<hbm>> -> memref<10240xf32, #tpu.memory_space<hbm>>
      %dma_start3A_14 = arith.constant 0 : i32
      %dma_start3A_15 = tpu.memref_slice %arg3[%add3A, %dma_start3A_14] : memref<32x10240xf32, #tpu.memory_space<hbm>> -> memref<1x10240xf32, #tpu.memory_space<hbm>>
      %dma_start3A_16 = tpu.memref_squeeze %dma_start3A_15 : memref<1x10240xf32, #tpu.memory_space<hbm>> -> memref<10240xf32, #tpu.memory_space<hbm>>
      tpu.enqueue_dma source(%arg5 : memref<10240xf32, #tpu.memory_space<vmem>>) target(%dma_start3A_16 : memref<10240xf32, #tpu.memory_space<hbm>>) target_semaphore(%run_scoped3A_11 : memref<!tpu.dma_semaphore, #tpu.memory_space<semaphore_mem>>)
      %dma_wait3A = arith.constant 0 : i32
      %dma_wait3A_17 = tpu.memref_slice %arg3[%add3A, %dma_wait3A] : memref<32x10240xf32, #tpu.memory_space<hbm>> -> memref<1x10240xf32, #tpu.memory_space<hbm>>
      %dma_wait3A_18 = tpu.memref_squeeze %dma_wait3A_17 : memref<1x10240xf32, #tpu.memory_space<hbm>> -> memref<10240xf32, #tpu.memory_space<hbm>>
      %dma_wait3A_19 = arith.constant 0 : i32
      %dma_wait3A_20 = tpu.memref_slice %arg3[%add3A, %dma_wait3A_19] : memref<32x10240xf32, #tpu.memory_space<hbm>> -> memref<1x10240xf32, #tpu.memory_space<hbm>>
      %dma_wait3A_21 = tpu.memref_squeeze %dma_wait3A_20 : memref<1x10240xf32, #tpu.memory_space<hbm>> -> memref<10240xf32, #tpu.memory_space<hbm>>
      tpu.wait_dma2 semaphore(%run_scoped3A_11 : memref<!tpu.dma_semaphore, #tpu.memory_space<semaphore_mem>>) src(%arg5 : memref<10240xf32, #tpu.memory_space<vmem>>) dst(%dma_wait3A_21 : memref<10240xf32, #tpu.memory_space<hbm>>)
      tpu.yield
    }) : () -> ()
    return
  }
}

#map = affine_map<(d0, d1) -> (0, 0)>
#map1 = affine_map<(d0, d1) -> (0, 0, 0, 0)>
#map2 = affine_map<(d0, d1) -> (0, 0, 0)>
module attributes {stable_mosaic.version = 14 : i64} {
  func.func @_sc_hop(%arg0: i32, %arg1: i32, %arg2: memref<10240x128xf32, #tpu.memory_space<hbm>>, %arg3: memref<2x32x80x128xi32, #tpu.memory_space<hbm>>, %arg4: memref<2x10240x128xf32, #tpu.memory_space<hbm>>, %arg5: memref<40x128xi32, #tpu.memory_space<vmem>>, %arg6: memref<40x128xi32, #tpu.memory_space<vmem>>, %arg7: memref<128x128xf32, #tpu.memory_space<vmem>>, %arg8: memref<128x128xf32, #tpu.memory_space<vmem>>, %arg9: memref<10240x128xf32, #tpu.memory_space<vmem_shared>>, %arg10: memref<!tpu.dma_semaphore, #tpu.memory_space<semaphore_mem>>, %arg11: memref<!tpu.dma_semaphore, #tpu.memory_space<semaphore_mem>>, %arg12: memref<!tpu.dma_semaphore, #tpu.memory_space<semaphore_mem>>, %arg13: memref<!tpu.dma_semaphore, #tpu.memory_space<semaphore_mem>>) attributes {dimension_semantics = [#tpu.dimension_semantics<core_parallel>, #tpu.dimension_semantics<subcore_parallel>], iteration_bounds = array<i64: 2, 16>, scalar_prefetch = 0 : i64, scratch_operands = 9 : i64, tpu.core_type = #tpu.core_type<sc_vector_subcore>, window_params = [{transform_indices = #map}, {transform_indices = #map1}, {transform_indices = #map2}]} {
    %mul3A = arith.constant 2 : i32
    %mul3A_0 = arith.muli %arg1, %mul3A : i32
    %add3A = arith.addi %mul3A_0, %arg0 : i32
    %scan3A = arith.constant 0 : i32
    %scan3A_1 = arith.constant 128 : i32
    %scan3A_2 = arith.addi %scan3A, %scan3A_1 : i32
    %scan3A_3 = arith.constant 1 : i32
    scf.for %scan3A_54 = %scan3A to %scan3A_2 step %scan3A_3  : i32 {
      %scan3A_55 = arith.constant 0 : i32
      %scan3A_56 = arith.constant 8 : i32
      %scan3A_57 = arith.addi %scan3A_55, %scan3A_56 : i32
      %scan3A_58 = arith.constant 1 : i32
      scf.for %scan3A_60 = %scan3A_55 to %scan3A_57 step %scan3A_58  : i32 {
        %broadcast_in_dim3A = arith.constant 0.000000e+00 : f32
        %broadcast_in_dim3A_61 = vector.broadcast %broadcast_in_dim3A : f32 to vector<16xf32>
        %mul3A_62 = arith.constant 16 : i32
        %mul3A_63 = arith.muli %scan3A_60, %mul3A_62 : i32
        %swap3A = arith.index_cast %scan3A_54 : i32 to index
        %swap3A_64 = arith.index_cast %mul3A_63 : i32 to index
        %swap3A_65 = tpu.vector_load %arg7[%swap3A, %swap3A_64] {strides = array<i32>} : memref<128x128xf32, #tpu.memory_space<vmem>>, vector<16xf32>,
        tpu.vector_store %arg7[%swap3A, %swap3A_64], %broadcast_in_dim3A_61 {strides = array<i32>} : memref<128x128xf32, #tpu.memory_space<vmem>>, vector<16xf32>,
      }
      %scan3A_59 = arith.constant 8 : i32
    }
    %scan3A_4 = arith.constant 128 : i32
    %scan3A_5 = arith.constant 0 : i32
    %scan3A_6 = arith.constant 5 : i32
    %scan3A_7 = arith.addi %scan3A_5, %scan3A_6 : i32
    %scan3A_8 = arith.constant 1 : i32
    scf.for %scan3A_54 = %scan3A_5 to %scan3A_7 step %scan3A_8  : i32 {
      %mul3A_55 = arith.constant 640 : i32
      %mul3A_56 = arith.muli %arg1, %mul3A_55 : i32
      %mul3A_57 = arith.constant 128 : i32
      %mul3A_58 = arith.muli %scan3A_54, %mul3A_57 : i32
      %add3A_59 = arith.addi %mul3A_56, %mul3A_58 : i32
      "tpu.region"() ({
        %run_scoped3A_60 = tpu.sem_alloc : memref<!tpu.dma_semaphore, #tpu.memory_space<semaphore_mem>>
        %dma_start3A_61 = arith.constant 0 : i32
        %dma_start3A_62 = tpu.memref_slice %arg9[%add3A_59, %dma_start3A_61] : memref<10240x128xf32, #tpu.memory_space<vmem_shared>> -> memref<128x128xf32, #tpu.memory_space<vmem_shared>>
        %dma_start3A_63 = arith.constant 0 : i32
        %dma_start3A_64 = tpu.memref_slice %arg9[%add3A_59, %dma_start3A_63] : memref<10240x128xf32, #tpu.memory_space<vmem_shared>> -> memref<128x128xf32, #tpu.memory_space<vmem_shared>>
        tpu.enqueue_dma source(%arg7 : memref<128x128xf32, #tpu.memory_space<vmem>>) target(%dma_start3A_64 : memref<128x128xf32, #tpu.memory_space<vmem_shared>>) target_semaphore(%run_scoped3A_60 : memref<!tpu.dma_semaphore, #tpu.memory_space<semaphore_mem>>)
        %dma_wait3A_65 = arith.constant 0 : i32
        %dma_wait3A_66 = tpu.memref_slice %arg9[%add3A_59, %dma_wait3A_65] : memref<10240x128xf32, #tpu.memory_space<vmem_shared>> -> memref<128x128xf32, #tpu.memory_space<vmem_shared>>
        %dma_wait3A_67 = arith.constant 0 : i32
        %dma_wait3A_68 = tpu.memref_slice %arg9[%add3A_59, %dma_wait3A_67] : memref<10240x128xf32, #tpu.memory_space<vmem_shared>> -> memref<128x128xf32, #tpu.memory_space<vmem_shared>>
        tpu.wait_dma2 semaphore(%run_scoped3A_60 : memref<!tpu.dma_semaphore, #tpu.memory_space<semaphore_mem>>) src(%arg7 : memref<128x128xf32, #tpu.memory_space<vmem>>) dst(%dma_wait3A_68 : memref<128x128xf32, #tpu.memory_space<vmem_shared>>)
        tpu.yield
      }) : () -> ()
    }
    %scan3A_9 = arith.constant 5 : i32
    %run_scoped3A = arith.constant 0 : i32
    "tpu.region"() ({
      %run_scoped3A_54 = tpu.sem_alloc : memref<!tpu.dma_semaphore, #tpu.memory_space<semaphore_mem>>
      %dma_start3A_55 = arith.constant 0 : i32
      %dma_start3A_56 = arith.constant 0 : i32
      %dma_start3A_57 = tpu.memref_slice %arg3[%run_scoped3A, %add3A, %dma_start3A_55, %dma_start3A_56] : memref<2x32x80x128xi32, #tpu.memory_space<hbm>> -> memref<1x1x40x128xi32, #tpu.memory_space<hbm>>
      %dma_start3A_58 = tpu.memref_squeeze %dma_start3A_57 : memref<1x1x40x128xi32, #tpu.memory_space<hbm>> -> memref<40x128xi32, #tpu.memory_space<hbm>>
      %dma_start3A_59 = arith.constant 0 : i32
      %dma_start3A_60 = arith.constant 0 : i32
      %dma_start3A_61 = tpu.memref_slice %arg3[%run_scoped3A, %add3A, %dma_start3A_59, %dma_start3A_60] : memref<2x32x80x128xi32, #tpu.memory_space<hbm>> -> memref<1x1x40x128xi32, #tpu.memory_space<hbm>>
      %dma_start3A_62 = tpu.memref_squeeze %dma_start3A_61 : memref<1x1x40x128xi32, #tpu.memory_space<hbm>> -> memref<40x128xi32, #tpu.memory_space<hbm>>
      tpu.enqueue_dma source(%dma_start3A_62 : memref<40x128xi32, #tpu.memory_space<hbm>>) target(%arg5 : memref<40x128xi32, #tpu.memory_space<vmem>>) target_semaphore(%run_scoped3A_54 : memref<!tpu.dma_semaphore, #tpu.memory_space<semaphore_mem>>)
      %dma_wait3A_63 = arith.constant 0 : i32
      %dma_wait3A_64 = arith.constant 0 : i32
      %dma_wait3A_65 = tpu.memref_slice %arg3[%run_scoped3A, %add3A, %dma_wait3A_63, %dma_wait3A_64] : memref<2x32x80x128xi32, #tpu.memory_space<hbm>> -> memref<1x1x40x128xi32, #tpu.memory_space<hbm>>
      %dma_wait3A_66 = tpu.memref_squeeze %dma_wait3A_65 : memref<1x1x40x128xi32, #tpu.memory_space<hbm>> -> memref<40x128xi32, #tpu.memory_space<hbm>>
      %dma_wait3A_67 = arith.constant 0 : i32
      %dma_wait3A_68 = arith.constant 0 : i32
      %dma_wait3A_69 = tpu.memref_slice %arg3[%run_scoped3A, %add3A, %dma_wait3A_67, %dma_wait3A_68] : memref<2x32x80x128xi32, #tpu.memory_space<hbm>> -> memref<1x1x40x128xi32, #tpu.memory_space<hbm>>
      %dma_wait3A_70 = tpu.memref_squeeze %dma_wait3A_69 : memref<1x1x40x128xi32, #tpu.memory_space<hbm>> -> memref<40x128xi32, #tpu.memory_space<hbm>>
      tpu.wait_dma2 semaphore(%run_scoped3A_54 : memref<!tpu.dma_semaphore, #tpu.memory_space<semaphore_mem>>) src(%dma_wait3A_70 : memref<40x128xi32, #tpu.memory_space<hbm>>) dst(%arg5 : memref<40x128xi32, #tpu.memory_space<vmem>>)
      tpu.yield
    }) : () -> ()
    %run_scoped3A_10 = arith.constant 1 : i32
    "tpu.region"() ({
      %run_scoped3A_54 = tpu.sem_alloc : memref<!tpu.dma_semaphore, #tpu.memory_space<semaphore_mem>>
      %dma_start3A_55 = arith.constant 0 : i32
      %dma_start3A_56 = arith.constant 0 : i32
      %dma_start3A_57 = tpu.memref_slice %arg3[%run_scoped3A_10, %add3A, %dma_start3A_55, %dma_start3A_56] : memref<2x32x80x128xi32, #tpu.memory_space<hbm>> -> memref<1x1x40x128xi32, #tpu.memory_space<hbm>>
      %dma_start3A_58 = tpu.memref_squeeze %dma_start3A_57 : memref<1x1x40x128xi32, #tpu.memory_space<hbm>> -> memref<40x128xi32, #tpu.memory_space<hbm>>
      %dma_start3A_59 = arith.constant 0 : i32
      %dma_start3A_60 = arith.constant 0 : i32
      %dma_start3A_61 = tpu.memref_slice %arg3[%run_scoped3A_10, %add3A, %dma_start3A_59, %dma_start3A_60] : memref<2x32x80x128xi32, #tpu.memory_space<hbm>> -> memref<1x1x40x128xi32, #tpu.memory_space<hbm>>
      %dma_start3A_62 = tpu.memref_squeeze %dma_start3A_61 : memref<1x1x40x128xi32, #tpu.memory_space<hbm>> -> memref<40x128xi32, #tpu.memory_space<hbm>>
      tpu.enqueue_dma source(%dma_start3A_62 : memref<40x128xi32, #tpu.memory_space<hbm>>) target(%arg6 : memref<40x128xi32, #tpu.memory_space<vmem>>) target_semaphore(%run_scoped3A_54 : memref<!tpu.dma_semaphore, #tpu.memory_space<semaphore_mem>>)
      %dma_wait3A_63 = arith.constant 0 : i32
      %dma_wait3A_64 = arith.constant 0 : i32
      %dma_wait3A_65 = tpu.memref_slice %arg3[%run_scoped3A_10, %add3A, %dma_wait3A_63, %dma_wait3A_64] : memref<2x32x80x128xi32, #tpu.memory_space<hbm>> -> memref<1x1x40x128xi32, #tpu.memory_space<hbm>>
      %dma_wait3A_66 = tpu.memref_squeeze %dma_wait3A_65 : memref<1x1x40x128xi32, #tpu.memory_space<hbm>> -> memref<40x128xi32, #tpu.memory_space<hbm>>
      %dma_wait3A_67 = arith.constant 0 : i32
      %dma_wait3A_68 = arith.constant 0 : i32
      %dma_wait3A_69 = tpu.memref_slice %arg3[%run_scoped3A_10, %add3A, %dma_wait3A_67, %dma_wait3A_68] : memref<2x32x80x128xi32, #tpu.memory_space<hbm>> -> memref<1x1x40x128xi32, #tpu.memory_space<hbm>>
      %dma_wait3A_70 = tpu.memref_squeeze %dma_wait3A_69 : memref<1x1x40x128xi32, #tpu.memory_space<hbm>> -> memref<40x128xi32, #tpu.memory_space<hbm>>
      tpu.wait_dma2 semaphore(%run_scoped3A_54 : memref<!tpu.dma_semaphore, #tpu.memory_space<semaphore_mem>>) src(%dma_wait3A_70 : memref<40x128xi32, #tpu.memory_space<hbm>>) dst(%arg6 : memref<40x128xi32, #tpu.memory_space<vmem>>)
      tpu.yield
    }) : () -> ()
    %dma_start3A = arith.constant 0 : i32
    %dma_start3A_11 = arith.constant 0 : i32
    %dma_start3A_12 = tpu.memref_slice %arg5[%dma_start3A, %dma_start3A_11] : memref<40x128xi32, #tpu.memory_space<vmem>> -> memref<1x128xi32, #tpu.memory_space<vmem>>
    %dma_start3A_13 = tpu.memref_squeeze %dma_start3A_12 : memref<1x128xi32, #tpu.memory_space<vmem>> -> memref<128xi32, #tpu.memory_space<vmem>>
    %dma_start3A_14 = arith.constant 0 : i32
    %dma_start3A_15 = arith.constant 0 : i32
    %dma_start3A_16 = tpu.memref_slice %arg2[%dma_start3A_14, %dma_start3A_15] : memref<10240x128xf32, #tpu.memory_space<hbm>> -> memref<10240x128xf32, #tpu.memory_space<hbm>>
    tpu.enqueue_indirect_dma source(%dma_start3A_16 : memref<10240x128xf32, #tpu.memory_space<hbm>>) target(%arg7 : memref<128x128xf32, #tpu.memory_space<vmem>>) offsets(%dma_start3A_13 : memref<128xi32, #tpu.memory_space<vmem>>) semaphore(%arg10 : memref<!tpu.dma_semaphore, #tpu.memory_space<semaphore_mem>>)
    %barrier3A = arith.constant 0 : index
    tpu.barrier barrier_id(%barrier3A)
    %scan3A_17 = arith.constant 0 : i32
    %scan3A_18 = arith.constant 20 : i32
    %scan3A_19 = arith.addi %scan3A_17, %scan3A_18 : i32
    %scan3A_20 = arith.constant 1 : i32
    scf.for %scan3A_54 = %scan3A_17 to %scan3A_19 step %scan3A_20  : i32 {
      %mul3A_55 = arith.constant 2 : i32
      %mul3A_56 = arith.muli %scan3A_54, %mul3A_55 : i32
      %add3A_57 = arith.constant 0 : i32
      %add3A_58 = arith.addi %mul3A_56, %add3A_57 : i32
      %ge3A = arith.constant 1 : i32
      %ge3A_59 = arith.cmpi sge, %add3A_58, %ge3A : i32
      %convert_element_type3A = arith.extui %ge3A_59 : i1 to i32
      %cond3A = arith.constant 0 : i32
      %cond3A_60 = arith.cmpi ne, %convert_element_type3A, %cond3A : i32
      scf.if %cond3A_60 {
        %sub3A = arith.constant 1 : i32
        %sub3A_107 = arith.subi %add3A_58, %sub3A : i32
        %dma_wait3A_108 = arith.constant 0 : i32
        %dma_wait3A_109 = tpu.memref_slice %arg6[%sub3A_107, %dma_wait3A_108] : memref<40x128xi32, #tpu.memory_space<vmem>> -> memref<1x128xi32, #tpu.memory_space<vmem>>
        %dma_wait3A_110 = tpu.memref_squeeze %dma_wait3A_109 : memref<1x128xi32, #tpu.memory_space<vmem>> -> memref<128xi32, #tpu.memory_space<vmem>>
        %dma_wait3A_111 = arith.constant 0 : i32
        %dma_wait3A_112 = arith.constant 0 : i32
        %dma_wait3A_113 = tpu.memref_slice %arg9[%dma_wait3A_111, %dma_wait3A_112] : memref<10240x128xf32, #tpu.memory_space<vmem_shared>> -> memref<10240x128xf32, #tpu.memory_space<vmem_shared>>
        tpu.wait_indirect_dma semaphore(%arg13 : memref<!tpu.dma_semaphore, #tpu.memory_space<semaphore_mem>>) src(%arg8 : memref<128x128xf32, #tpu.memory_space<vmem>>) dst(%dma_wait3A_113 : memref<10240x128xf32, #tpu.memory_space<vmem_shared>>)
      } else {
      }
      %add3A_61 = arith.constant 1 : i32
      %add3A_62 = arith.addi %add3A_58, %add3A_61 : i32
      %lt3A = arith.constant 40 : i32
      %lt3A_63 = arith.cmpi slt, %add3A_62, %lt3A : i32
      %convert_element_type3A_64 = arith.extui %lt3A_63 : i1 to i32
      %cond3A_65 = arith.constant 0 : i32
      %cond3A_66 = arith.cmpi ne, %convert_element_type3A_64, %cond3A_65 : i32
      scf.if %cond3A_66 {
        %add3A_107 = arith.constant 1 : i32
        %add3A_108 = arith.addi %add3A_58, %add3A_107 : i32
        %dma_start3A_109 = arith.constant 0 : i32
        %dma_start3A_110 = tpu.memref_slice %arg5[%add3A_108, %dma_start3A_109] : memref<40x128xi32, #tpu.memory_space<vmem>> -> memref<1x128xi32, #tpu.memory_space<vmem>>
        %dma_start3A_111 = tpu.memref_squeeze %dma_start3A_110 : memref<1x128xi32, #tpu.memory_space<vmem>> -> memref<128xi32, #tpu.memory_space<vmem>>
        %dma_start3A_112 = arith.constant 0 : i32
        %dma_start3A_113 = arith.constant 0 : i32
        %dma_start3A_114 = tpu.memref_slice %arg2[%dma_start3A_112, %dma_start3A_113] : memref<10240x128xf32, #tpu.memory_space<hbm>> -> memref<10240x128xf32, #tpu.memory_space<hbm>>
        tpu.enqueue_indirect_dma source(%dma_start3A_114 : memref<10240x128xf32, #tpu.memory_space<hbm>>) target(%arg8 : memref<128x128xf32, #tpu.memory_space<vmem>>) offsets(%dma_start3A_111 : memref<128xi32, #tpu.memory_space<vmem>>) semaphore(%arg11 : memref<!tpu.dma_semaphore, #tpu.memory_space<semaphore_mem>>)
      } else {
      }
      %dma_wait3A_67 = arith.constant 0 : i32
      %dma_wait3A_68 = tpu.memref_slice %arg5[%add3A_58, %dma_wait3A_67] : memref<40x128xi32, #tpu.memory_space<vmem>> -> memref<1x128xi32, #tpu.memory_space<vmem>>
      %dma_wait3A_69 = tpu.memref_squeeze %dma_wait3A_68 : memref<1x128xi32, #tpu.memory_space<vmem>> -> memref<128xi32, #tpu.memory_space<vmem>>
      %dma_wait3A_70 = arith.constant 0 : i32
      %dma_wait3A_71 = arith.constant 0 : i32
      %dma_wait3A_72 = tpu.memref_slice %arg2[%dma_wait3A_70, %dma_wait3A_71] : memref<10240x128xf32, #tpu.memory_space<hbm>> -> memref<10240x128xf32, #tpu.memory_space<hbm>>
      tpu.wait_indirect_dma semaphore(%arg10 : memref<!tpu.dma_semaphore, #tpu.memory_space<semaphore_mem>>) src(%dma_wait3A_72 : memref<10240x128xf32, #tpu.memory_space<hbm>>) dst(%arg7 : memref<128x128xf32, #tpu.memory_space<vmem>>)
      %dma_start3A_73 = arith.constant 0 : i32
      %dma_start3A_74 = tpu.memref_slice %arg6[%add3A_58, %dma_start3A_73] : memref<40x128xi32, #tpu.memory_space<vmem>> -> memref<1x128xi32, #tpu.memory_space<vmem>>
      %dma_start3A_75 = tpu.memref_squeeze %dma_start3A_74 : memref<1x128xi32, #tpu.memory_space<vmem>> -> memref<128xi32, #tpu.memory_space<vmem>>
      %dma_start3A_76 = arith.constant 0 : i32
      %dma_start3A_77 = arith.constant 0 : i32
      %dma_start3A_78 = tpu.memref_slice %arg9[%dma_start3A_76, %dma_start3A_77] : memref<10240x128xf32, #tpu.memory_space<vmem_shared>> -> memref<10240x128xf32, #tpu.memory_space<vmem_shared>>
      tpu.enqueue_indirect_dma source(%arg7 : memref<128x128xf32, #tpu.memory_space<vmem>>) target(%dma_start3A_78 : memref<10240x128xf32, #tpu.memory_space<vmem_shared>>) offsets(%dma_start3A_75 : memref<128xi32, #tpu.memory_space<vmem>>) semaphore(%arg12 : memref<!tpu.dma_semaphore, #tpu.memory_space<semaphore_mem>>) {add = true}
      %mul3A_79 = arith.constant 2 : i32
      %mul3A_80 = arith.muli %scan3A_54, %mul3A_79 : i32
      %add3A_81 = arith.constant 1 : i32
      %add3A_82 = arith.addi %mul3A_80, %add3A_81 : i32
      %ge3A_83 = arith.constant 1 : i32
      %ge3A_84 = arith.cmpi sge, %add3A_82, %ge3A_83 : i32
      %convert_element_type3A_85 = arith.extui %ge3A_84 : i1 to i32
      %cond3A_86 = arith.constant 0 : i32
      %cond3A_87 = arith.cmpi ne, %convert_element_type3A_85, %cond3A_86 : i32
      scf.if %cond3A_87 {
        %sub3A = arith.constant 1 : i32
        %sub3A_107 = arith.subi %add3A_82, %sub3A : i32
        %dma_wait3A_108 = arith.constant 0 : i32
        %dma_wait3A_109 = tpu.memref_slice %arg6[%sub3A_107, %dma_wait3A_108] : memref<40x128xi32, #tpu.memory_space<vmem>> -> memref<1x128xi32, #tpu.memory_space<vmem>>
        %dma_wait3A_110 = tpu.memref_squeeze %dma_wait3A_109 : memref<1x128xi32, #tpu.memory_space<vmem>> -> memref<128xi32, #tpu.memory_space<vmem>>
        %dma_wait3A_111 = arith.constant 0 : i32
        %dma_wait3A_112 = arith.constant 0 : i32
        %dma_wait3A_113 = tpu.memref_slice %arg9[%dma_wait3A_111, %dma_wait3A_112] : memref<10240x128xf32, #tpu.memory_space<vmem_shared>> -> memref<10240x128xf32, #tpu.memory_space<vmem_shared>>
        tpu.wait_indirect_dma semaphore(%arg12 : memref<!tpu.dma_semaphore, #tpu.memory_space<semaphore_mem>>) src(%arg7 : memref<128x128xf32, #tpu.memory_space<vmem>>) dst(%dma_wait3A_113 : memref<10240x128xf32, #tpu.memory_space<vmem_shared>>)
      } else {
      }
      %add3A_88 = arith.constant 1 : i32
      %add3A_89 = arith.addi %add3A_82, %add3A_88 : i32
      %lt3A_90 = arith.constant 40 : i32
      %lt3A_91 = arith.cmpi slt, %add3A_89, %lt3A_90 : i32
      %convert_element_type3A_92 = arith.extui %lt3A_91 : i1 to i32
      %cond3A_93 = arith.constant 0 : i32
      %cond3A_94 = arith.cmpi ne, %convert_element_type3A_92, %cond3A_93 : i32
      scf.if %cond3A_94 {
        %add3A_107 = arith.constant 1 : i32
        %add3A_108 = arith.addi %add3A_82, %add3A_107 : i32
        %dma_start3A_109 = arith.constant 0 : i32
        %dma_start3A_110 = tpu.memref_slice %arg5[%add3A_108, %dma_start3A_109] : memref<40x128xi32, #tpu.memory_space<vmem>> -> memref<1x128xi32, #tpu.memory_space<vmem>>
        %dma_start3A_111 = tpu.memref_squeeze %dma_start3A_110 : memref<1x128xi32, #tpu.memory_space<vmem>> -> memref<128xi32, #tpu.memory_space<vmem>>
        %dma_start3A_112 = arith.constant 0 : i32
        %dma_start3A_113 = arith.constant 0 : i32
        %dma_start3A_114 = tpu.memref_slice %arg2[%dma_start3A_112, %dma_start3A_113] : memref<10240x128xf32, #tpu.memory_space<hbm>> -> memref<10240x128xf32, #tpu.memory_space<hbm>>
        tpu.enqueue_indirect_dma source(%dma_start3A_114 : memref<10240x128xf32, #tpu.memory_space<hbm>>) target(%arg7 : memref<128x128xf32, #tpu.memory_space<vmem>>) offsets(%dma_start3A_111 : memref<128xi32, #tpu.memory_space<vmem>>) semaphore(%arg10 : memref<!tpu.dma_semaphore, #tpu.memory_space<semaphore_mem>>)
      } else {
      }
      %dma_wait3A_95 = arith.constant 0 : i32
      %dma_wait3A_96 = tpu.memref_slice %arg5[%add3A_82, %dma_wait3A_95] : memref<40x128xi32, #tpu.memory_space<vmem>> -> memref<1x128xi32, #tpu.memory_space<vmem>>
      %dma_wait3A_97 = tpu.memref_squeeze %dma_wait3A_96 : memref<1x128xi32, #tpu.memory_space<vmem>> -> memref<128xi32, #tpu.memory_space<vmem>>
      %dma_wait3A_98 = arith.constant 0 : i32
      %dma_wait3A_99 = arith.constant 0 : i32
      %dma_wait3A_100 = tpu.memref_slice %arg2[%dma_wait3A_98, %dma_wait3A_99] : memref<10240x128xf32, #tpu.memory_space<hbm>> -> memref<10240x128xf32, #tpu.memory_space<hbm>>
      tpu.wait_indirect_dma semaphore(%arg11 : memref<!tpu.dma_semaphore, #tpu.memory_space<semaphore_mem>>) src(%dma_wait3A_100 : memref<10240x128xf32, #tpu.memory_space<hbm>>) dst(%arg8 : memref<128x128xf32, #tpu.memory_space<vmem>>)
      %dma_start3A_101 = arith.constant 0 : i32
      %dma_start3A_102 = tpu.memref_slice %arg6[%add3A_82, %dma_start3A_101] : memref<40x128xi32, #tpu.memory_space<vmem>> -> memref<1x128xi32, #tpu.memory_space<vmem>>
      %dma_start3A_103 = tpu.memref_squeeze %dma_start3A_102 : memref<1x128xi32, #tpu.memory_space<vmem>> -> memref<128xi32, #tpu.memory_space<vmem>>
      %dma_start3A_104 = arith.constant 0 : i32
      %dma_start3A_105 = arith.constant 0 : i32
      %dma_start3A_106 = tpu.memref_slice %arg9[%dma_start3A_104, %dma_start3A_105] : memref<10240x128xf32, #tpu.memory_space<vmem_shared>> -> memref<10240x128xf32, #tpu.memory_space<vmem_shared>>
      tpu.enqueue_indirect_dma source(%arg8 : memref<128x128xf32, #tpu.memory_space<vmem>>) target(%dma_start3A_106 : memref<10240x128xf32, #tpu.memory_space<vmem_shared>>) offsets(%dma_start3A_103 : memref<128xi32, #tpu.memory_space<vmem>>) semaphore(%arg13 : memref<!tpu.dma_semaphore, #tpu.memory_space<semaphore_mem>>) {add = true}
    }
    %scan3A_21 = arith.constant 20 : i32
    %dma_wait3A = arith.constant 39 : i32
    %dma_wait3A_22 = arith.constant 0 : i32
    %dma_wait3A_23 = tpu.memref_slice %arg6[%dma_wait3A, %dma_wait3A_22] : memref<40x128xi32, #tpu.memory_space<vmem>> -> memref<1x128xi32, #tpu.memory_space<vmem>>
    %dma_wait3A_24 = tpu.memref_squeeze %dma_wait3A_23 : memref<1x128xi32, #tpu.memory_space<vmem>> -> memref<128xi32, #tpu.memory_space<vmem>>
    %dma_wait3A_25 = arith.constant 0 : i32
    %dma_wait3A_26 = arith.constant 0 : i32
    %dma_wait3A_27 = tpu.memref_slice %arg9[%dma_wait3A_25, %dma_wait3A_26] : memref<10240x128xf32, #tpu.memory_space<vmem_shared>> -> memref<10240x128xf32, #tpu.memory_space<vmem_shared>>
    tpu.wait_indirect_dma semaphore(%arg13 : memref<!tpu.dma_semaphore, #tpu.memory_space<semaphore_mem>>) src(%arg8 : memref<128x128xf32, #tpu.memory_space<vmem>>) dst(%dma_wait3A_27 : memref<10240x128xf32, #tpu.memory_space<vmem_shared>>)
    %run_scoped3A_28 = arith.constant 0 : i32
    "tpu.region"() ({
      %run_scoped3A_54 = tpu.sem_alloc : memref<!tpu.dma_semaphore, #tpu.memory_space<semaphore_mem>>
      %dma_start3A_55 = arith.constant 40 : i32
      %dma_start3A_56 = arith.constant 0 : i32
      %dma_start3A_57 = tpu.memref_slice %arg3[%run_scoped3A_28, %add3A, %dma_start3A_55, %dma_start3A_56] : memref<2x32x80x128xi32, #tpu.memory_space<hbm>> -> memref<1x1x40x128xi32, #tpu.memory_space<hbm>>
      %dma_start3A_58 = tpu.memref_squeeze %dma_start3A_57 : memref<1x1x40x128xi32, #tpu.memory_space<hbm>> -> memref<40x128xi32, #tpu.memory_space<hbm>>
      %dma_start3A_59 = arith.constant 40 : i32
      %dma_start3A_60 = arith.constant 0 : i32
      %dma_start3A_61 = tpu.memref_slice %arg3[%run_scoped3A_28, %add3A, %dma_start3A_59, %dma_start3A_60] : memref<2x32x80x128xi32, #tpu.memory_space<hbm>> -> memref<1x1x40x128xi32, #tpu.memory_space<hbm>>
      %dma_start3A_62 = tpu.memref_squeeze %dma_start3A_61 : memref<1x1x40x128xi32, #tpu.memory_space<hbm>> -> memref<40x128xi32, #tpu.memory_space<hbm>>
      tpu.enqueue_dma source(%dma_start3A_62 : memref<40x128xi32, #tpu.memory_space<hbm>>) target(%arg5 : memref<40x128xi32, #tpu.memory_space<vmem>>) target_semaphore(%run_scoped3A_54 : memref<!tpu.dma_semaphore, #tpu.memory_space<semaphore_mem>>)
      %dma_wait3A_63 = arith.constant 40 : i32
      %dma_wait3A_64 = arith.constant 0 : i32
      %dma_wait3A_65 = tpu.memref_slice %arg3[%run_scoped3A_28, %add3A, %dma_wait3A_63, %dma_wait3A_64] : memref<2x32x80x128xi32, #tpu.memory_space<hbm>> -> memref<1x1x40x128xi32, #tpu.memory_space<hbm>>
      %dma_wait3A_66 = tpu.memref_squeeze %dma_wait3A_65 : memref<1x1x40x128xi32, #tpu.memory_space<hbm>> -> memref<40x128xi32, #tpu.memory_space<hbm>>
      %dma_wait3A_67 = arith.constant 40 : i32
      %dma_wait3A_68 = arith.constant 0 : i32
      %dma_wait3A_69 = tpu.memref_slice %arg3[%run_scoped3A_28, %add3A, %dma_wait3A_67, %dma_wait3A_68] : memref<2x32x80x128xi32, #tpu.memory_space<hbm>> -> memref<1x1x40x128xi32, #tpu.memory_space<hbm>>
      %dma_wait3A_70 = tpu.memref_squeeze %dma_wait3A_69 : memref<1x1x40x128xi32, #tpu.memory_space<hbm>> -> memref<40x128xi32, #tpu.memory_space<hbm>>
      tpu.wait_dma2 semaphore(%run_scoped3A_54 : memref<!tpu.dma_semaphore, #tpu.memory_space<semaphore_mem>>) src(%dma_wait3A_70 : memref<40x128xi32, #tpu.memory_space<hbm>>) dst(%arg5 : memref<40x128xi32, #tpu.memory_space<vmem>>)
      tpu.yield
    }) : () -> ()
    %run_scoped3A_29 = arith.constant 1 : i32
    "tpu.region"() ({
      %run_scoped3A_54 = tpu.sem_alloc : memref<!tpu.dma_semaphore, #tpu.memory_space<semaphore_mem>>
      %dma_start3A_55 = arith.constant 40 : i32
      %dma_start3A_56 = arith.constant 0 : i32
      %dma_start3A_57 = tpu.memref_slice %arg3[%run_scoped3A_29, %add3A, %dma_start3A_55, %dma_start3A_56] : memref<2x32x80x128xi32, #tpu.memory_space<hbm>> -> memref<1x1x40x128xi32, #tpu.memory_space<hbm>>
      %dma_start3A_58 = tpu.memref_squeeze %dma_start3A_57 : memref<1x1x40x128xi32, #tpu.memory_space<hbm>> -> memref<40x128xi32, #tpu.memory_space<hbm>>
      %dma_start3A_59 = arith.constant 40 : i32
      %dma_start3A_60 = arith.constant 0 : i32
      %dma_start3A_61 = tpu.memref_slice %arg3[%run_scoped3A_29, %add3A, %dma_start3A_59, %dma_start3A_60] : memref<2x32x80x128xi32, #tpu.memory_space<hbm>> -> memref<1x1x40x128xi32, #tpu.memory_space<hbm>>
      %dma_start3A_62 = tpu.memref_squeeze %dma_start3A_61 : memref<1x1x40x128xi32, #tpu.memory_space<hbm>> -> memref<40x128xi32, #tpu.memory_space<hbm>>
      tpu.enqueue_dma source(%dma_start3A_62 : memref<40x128xi32, #tpu.memory_space<hbm>>) target(%arg6 : memref<40x128xi32, #tpu.memory_space<vmem>>) target_semaphore(%run_scoped3A_54 : memref<!tpu.dma_semaphore, #tpu.memory_space<semaphore_mem>>)
      %dma_wait3A_63 = arith.constant 40 : i32
      %dma_wait3A_64 = arith.constant 0 : i32
      %dma_wait3A_65 = tpu.memref_slice %arg3[%run_scoped3A_29, %add3A, %dma_wait3A_63, %dma_wait3A_64] : memref<2x32x80x128xi32, #tpu.memory_space<hbm>> -> memref<1x1x40x128xi32, #tpu.memory_space<hbm>>
      %dma_wait3A_66 = tpu.memref_squeeze %dma_wait3A_65 : memref<1x1x40x128xi32, #tpu.memory_space<hbm>> -> memref<40x128xi32, #tpu.memory_space<hbm>>
      %dma_wait3A_67 = arith.constant 40 : i32
      %dma_wait3A_68 = arith.constant 0 : i32
      %dma_wait3A_69 = tpu.memref_slice %arg3[%run_scoped3A_29, %add3A, %dma_wait3A_67, %dma_wait3A_68] : memref<2x32x80x128xi32, #tpu.memory_space<hbm>> -> memref<1x1x40x128xi32, #tpu.memory_space<hbm>>
      %dma_wait3A_70 = tpu.memref_squeeze %dma_wait3A_69 : memref<1x1x40x128xi32, #tpu.memory_space<hbm>> -> memref<40x128xi32, #tpu.memory_space<hbm>>
      tpu.wait_dma2 semaphore(%run_scoped3A_54 : memref<!tpu.dma_semaphore, #tpu.memory_space<semaphore_mem>>) src(%dma_wait3A_70 : memref<40x128xi32, #tpu.memory_space<hbm>>) dst(%arg6 : memref<40x128xi32, #tpu.memory_space<vmem>>)
      tpu.yield
    }) : () -> ()
    %dma_start3A_30 = arith.constant 0 : i32
    %dma_start3A_31 = arith.constant 0 : i32
    %dma_start3A_32 = tpu.memref_slice %arg5[%dma_start3A_30, %dma_start3A_31] : memref<40x128xi32, #tpu.memory_space<vmem>> -> memref<1x128xi32, #tpu.memory_space<vmem>>
    %dma_start3A_33 = tpu.memref_squeeze %dma_start3A_32 : memref<1x128xi32, #tpu.memory_space<vmem>> -> memref<128xi32, #tpu.memory_space<vmem>>
    %dma_start3A_34 = arith.constant 0 : i32
    %dma_start3A_35 = arith.constant 0 : i32
    %dma_start3A_36 = tpu.memref_slice %arg2[%dma_start3A_34, %dma_start3A_35] : memref<10240x128xf32, #tpu.memory_space<hbm>> -> memref<10240x128xf32, #tpu.memory_space<hbm>>
    tpu.enqueue_indirect_dma source(%dma_start3A_36 : memref<10240x128xf32, #tpu.memory_space<hbm>>) target(%arg7 : memref<128x128xf32, #tpu.memory_space<vmem>>) offsets(%dma_start3A_33 : memref<128xi32, #tpu.memory_space<vmem>>) semaphore(%arg10 : memref<!tpu.dma_semaphore, #tpu.memory_space<semaphore_mem>>)
    %scan3A_37 = arith.constant 0 : i32
    %scan3A_38 = arith.constant 20 : i32
    %scan3A_39 = arith.addi %scan3A_37, %scan3A_38 : i32
    %scan3A_40 = arith.constant 1 : i32
    scf.for %scan3A_54 = %scan3A_37 to %scan3A_39 step %scan3A_40  : i32 {
      %mul3A_55 = arith.constant 2 : i32
      %mul3A_56 = arith.muli %scan3A_54, %mul3A_55 : i32
      %add3A_57 = arith.constant 0 : i32
      %add3A_58 = arith.addi %mul3A_56, %add3A_57 : i32
      %ge3A = arith.constant 1 : i32
      %ge3A_59 = arith.cmpi sge, %add3A_58, %ge3A : i32
      %convert_element_type3A = arith.extui %ge3A_59 : i1 to i32
      %cond3A = arith.constant 0 : i32
      %cond3A_60 = arith.cmpi ne, %convert_element_type3A, %cond3A : i32
      scf.if %cond3A_60 {
        %sub3A = arith.constant 1 : i32
        %sub3A_107 = arith.subi %add3A_58, %sub3A : i32
        %dma_wait3A_108 = arith.constant 0 : i32
        %dma_wait3A_109 = tpu.memref_slice %arg6[%sub3A_107, %dma_wait3A_108] : memref<40x128xi32, #tpu.memory_space<vmem>> -> memref<1x128xi32, #tpu.memory_space<vmem>>
        %dma_wait3A_110 = tpu.memref_squeeze %dma_wait3A_109 : memref<1x128xi32, #tpu.memory_space<vmem>> -> memref<128xi32, #tpu.memory_space<vmem>>
        %dma_wait3A_111 = arith.constant 0 : i32
        %dma_wait3A_112 = arith.constant 0 : i32
        %dma_wait3A_113 = tpu.memref_slice %arg9[%dma_wait3A_111, %dma_wait3A_112] : memref<10240x128xf32, #tpu.memory_space<vmem_shared>> -> memref<10240x128xf32, #tpu.memory_space<vmem_shared>>
        tpu.wait_indirect_dma semaphore(%arg13 : memref<!tpu.dma_semaphore, #tpu.memory_space<semaphore_mem>>) src(%arg8 : memref<128x128xf32, #tpu.memory_space<vmem>>) dst(%dma_wait3A_113 : memref<10240x128xf32, #tpu.memory_space<vmem_shared>>)
      } else {
      }
      %add3A_61 = arith.constant 1 : i32
      %add3A_62 = arith.addi %add3A_58, %add3A_61 : i32
      %lt3A = arith.constant 40 : i32
      %lt3A_63 = arith.cmpi slt, %add3A_62, %lt3A : i32
      %convert_element_type3A_64 = arith.extui %lt3A_63 : i1 to i32
      %cond3A_65 = arith.constant 0 : i32
      %cond3A_66 = arith.cmpi ne, %convert_element_type3A_64, %cond3A_65 : i32
      scf.if %cond3A_66 {
        %add3A_107 = arith.constant 1 : i32
        %add3A_108 = arith.addi %add3A_58, %add3A_107 : i32
        %dma_start3A_109 = arith.constant 0 : i32
        %dma_start3A_110 = tpu.memref_slice %arg5[%add3A_108, %dma_start3A_109] : memref<40x128xi32, #tpu.memory_space<vmem>> -> memref<1x128xi32, #tpu.memory_space<vmem>>
        %dma_start3A_111 = tpu.memref_squeeze %dma_start3A_110 : memref<1x128xi32, #tpu.memory_space<vmem>> -> memref<128xi32, #tpu.memory_space<vmem>>
        %dma_start3A_112 = arith.constant 0 : i32
        %dma_start3A_113 = arith.constant 0 : i32
        %dma_start3A_114 = tpu.memref_slice %arg2[%dma_start3A_112, %dma_start3A_113] : memref<10240x128xf32, #tpu.memory_space<hbm>> -> memref<10240x128xf32, #tpu.memory_space<hbm>>
        tpu.enqueue_indirect_dma source(%dma_start3A_114 : memref<10240x128xf32, #tpu.memory_space<hbm>>) target(%arg8 : memref<128x128xf32, #tpu.memory_space<vmem>>) offsets(%dma_start3A_111 : memref<128xi32, #tpu.memory_space<vmem>>) semaphore(%arg11 : memref<!tpu.dma_semaphore, #tpu.memory_space<semaphore_mem>>)
      } else {
      }
      %dma_wait3A_67 = arith.constant 0 : i32
      %dma_wait3A_68 = tpu.memref_slice %arg5[%add3A_58, %dma_wait3A_67] : memref<40x128xi32, #tpu.memory_space<vmem>> -> memref<1x128xi32, #tpu.memory_space<vmem>>
      %dma_wait3A_69 = tpu.memref_squeeze %dma_wait3A_68 : memref<1x128xi32, #tpu.memory_space<vmem>> -> memref<128xi32, #tpu.memory_space<vmem>>
      %dma_wait3A_70 = arith.constant 0 : i32
      %dma_wait3A_71 = arith.constant 0 : i32
      %dma_wait3A_72 = tpu.memref_slice %arg2[%dma_wait3A_70, %dma_wait3A_71] : memref<10240x128xf32, #tpu.memory_space<hbm>> -> memref<10240x128xf32, #tpu.memory_space<hbm>>
      tpu.wait_indirect_dma semaphore(%arg10 : memref<!tpu.dma_semaphore, #tpu.memory_space<semaphore_mem>>) src(%dma_wait3A_72 : memref<10240x128xf32, #tpu.memory_space<hbm>>) dst(%arg7 : memref<128x128xf32, #tpu.memory_space<vmem>>)
      %dma_start3A_73 = arith.constant 0 : i32
      %dma_start3A_74 = tpu.memref_slice %arg6[%add3A_58, %dma_start3A_73] : memref<40x128xi32, #tpu.memory_space<vmem>> -> memref<1x128xi32, #tpu.memory_space<vmem>>
      %dma_start3A_75 = tpu.memref_squeeze %dma_start3A_74 : memref<1x128xi32, #tpu.memory_space<vmem>> -> memref<128xi32, #tpu.memory_space<vmem>>
      %dma_start3A_76 = arith.constant 0 : i32
      %dma_start3A_77 = arith.constant 0 : i32
      %dma_start3A_78 = tpu.memref_slice %arg9[%dma_start3A_76, %dma_start3A_77] : memref<10240x128xf32, #tpu.memory_space<vmem_shared>> -> memref<10240x128xf32, #tpu.memory_space<vmem_shared>>
      tpu.enqueue_indirect_dma source(%arg7 : memref<128x128xf32, #tpu.memory_space<vmem>>) target(%dma_start3A_78 : memref<10240x128xf32, #tpu.memory_space<vmem_shared>>) offsets(%dma_start3A_75 : memref<128xi32, #tpu.memory_space<vmem>>) semaphore(%arg12 : memref<!tpu.dma_semaphore, #tpu.memory_space<semaphore_mem>>) {add = true}
      %mul3A_79 = arith.constant 2 : i32
      %mul3A_80 = arith.muli %scan3A_54, %mul3A_79 : i32
      %add3A_81 = arith.constant 1 : i32
      %add3A_82 = arith.addi %mul3A_80, %add3A_81 : i32
      %ge3A_83 = arith.constant 1 : i32
      %ge3A_84 = arith.cmpi sge, %add3A_82, %ge3A_83 : i32
      %convert_element_type3A_85 = arith.extui %ge3A_84 : i1 to i32
      %cond3A_86 = arith.constant 0 : i32
      %cond3A_87 = arith.cmpi ne, %convert_element_type3A_85, %cond3A_86 : i32
      scf.if %cond3A_87 {
        %sub3A = arith.constant 1 : i32
        %sub3A_107 = arith.subi %add3A_82, %sub3A : i32
        %dma_wait3A_108 = arith.constant 0 : i32
        %dma_wait3A_109 = tpu.memref_slice %arg6[%sub3A_107, %dma_wait3A_108] : memref<40x128xi32, #tpu.memory_space<vmem>> -> memref<1x128xi32, #tpu.memory_space<vmem>>
        %dma_wait3A_110 = tpu.memref_squeeze %dma_wait3A_109 : memref<1x128xi32, #tpu.memory_space<vmem>> -> memref<128xi32, #tpu.memory_space<vmem>>
        %dma_wait3A_111 = arith.constant 0 : i32
        %dma_wait3A_112 = arith.constant 0 : i32
        %dma_wait3A_113 = tpu.memref_slice %arg9[%dma_wait3A_111, %dma_wait3A_112] : memref<10240x128xf32, #tpu.memory_space<vmem_shared>> -> memref<10240x128xf32, #tpu.memory_space<vmem_shared>>
        tpu.wait_indirect_dma semaphore(%arg12 : memref<!tpu.dma_semaphore, #tpu.memory_space<semaphore_mem>>) src(%arg7 : memref<128x128xf32, #tpu.memory_space<vmem>>) dst(%dma_wait3A_113 : memref<10240x128xf32, #tpu.memory_space<vmem_shared>>)
      } else {
      }
      %add3A_88 = arith.constant 1 : i32
      %add3A_89 = arith.addi %add3A_82, %add3A_88 : i32
      %lt3A_90 = arith.constant 40 : i32
      %lt3A_91 = arith.cmpi slt, %add3A_89, %lt3A_90 : i32
      %convert_element_type3A_92 = arith.extui %lt3A_91 : i1 to i32
      %cond3A_93 = arith.constant 0 : i32
      %cond3A_94 = arith.cmpi ne, %convert_element_type3A_92, %cond3A_93 : i32
      scf.if %cond3A_94 {
        %add3A_107 = arith.constant 1 : i32
        %add3A_108 = arith.addi %add3A_82, %add3A_107 : i32
        %dma_start3A_109 = arith.constant 0 : i32
        %dma_start3A_110 = tpu.memref_slice %arg5[%add3A_108, %dma_start3A_109] : memref<40x128xi32, #tpu.memory_space<vmem>> -> memref<1x128xi32, #tpu.memory_space<vmem>>
        %dma_start3A_111 = tpu.memref_squeeze %dma_start3A_110 : memref<1x128xi32, #tpu.memory_space<vmem>> -> memref<128xi32, #tpu.memory_space<vmem>>
        %dma_start3A_112 = arith.constant 0 : i32
        %dma_start3A_113 = arith.constant 0 : i32
        %dma_start3A_114 = tpu.memref_slice %arg2[%dma_start3A_112, %dma_start3A_113] : memref<10240x128xf32, #tpu.memory_space<hbm>> -> memref<10240x128xf32, #tpu.memory_space<hbm>>
        tpu.enqueue_indirect_dma source(%dma_start3A_114 : memref<10240x128xf32, #tpu.memory_space<hbm>>) target(%arg7 : memref<128x128xf32, #tpu.memory_space<vmem>>) offsets(%dma_start3A_111 : memref<128xi32, #tpu.memory_space<vmem>>) semaphore(%arg10 : memref<!tpu.dma_semaphore, #tpu.memory_space<semaphore_mem>>)
      } else {
      }
      %dma_wait3A_95 = arith.constant 0 : i32
      %dma_wait3A_96 = tpu.memref_slice %arg5[%add3A_82, %dma_wait3A_95] : memref<40x128xi32, #tpu.memory_space<vmem>> -> memref<1x128xi32, #tpu.memory_space<vmem>>
      %dma_wait3A_97 = tpu.memref_squeeze %dma_wait3A_96 : memref<1x128xi32, #tpu.memory_space<vmem>> -> memref<128xi32, #tpu.memory_space<vmem>>
      %dma_wait3A_98 = arith.constant 0 : i32
      %dma_wait3A_99 = arith.constant 0 : i32
      %dma_wait3A_100 = tpu.memref_slice %arg2[%dma_wait3A_98, %dma_wait3A_99] : memref<10240x128xf32, #tpu.memory_space<hbm>> -> memref<10240x128xf32, #tpu.memory_space<hbm>>
      tpu.wait_indirect_dma semaphore(%arg11 : memref<!tpu.dma_semaphore, #tpu.memory_space<semaphore_mem>>) src(%dma_wait3A_100 : memref<10240x128xf32, #tpu.memory_space<hbm>>) dst(%arg8 : memref<128x128xf32, #tpu.memory_space<vmem>>)
      %dma_start3A_101 = arith.constant 0 : i32
      %dma_start3A_102 = tpu.memref_slice %arg6[%add3A_82, %dma_start3A_101] : memref<40x128xi32, #tpu.memory_space<vmem>> -> memref<1x128xi32, #tpu.memory_space<vmem>>
      %dma_start3A_103 = tpu.memref_squeeze %dma_start3A_102 : memref<1x128xi32, #tpu.memory_space<vmem>> -> memref<128xi32, #tpu.memory_space<vmem>>
      %dma_start3A_104 = arith.constant 0 : i32
      %dma_start3A_105 = arith.constant 0 : i32
      %dma_start3A_106 = tpu.memref_slice %arg9[%dma_start3A_104, %dma_start3A_105] : memref<10240x128xf32, #tpu.memory_space<vmem_shared>> -> memref<10240x128xf32, #tpu.memory_space<vmem_shared>>
      tpu.enqueue_indirect_dma source(%arg8 : memref<128x128xf32, #tpu.memory_space<vmem>>) target(%dma_start3A_106 : memref<10240x128xf32, #tpu.memory_space<vmem_shared>>) offsets(%dma_start3A_103 : memref<128xi32, #tpu.memory_space<vmem>>) semaphore(%arg13 : memref<!tpu.dma_semaphore, #tpu.memory_space<semaphore_mem>>) {add = true}
    }
    %scan3A_41 = arith.constant 20 : i32
    %dma_wait3A_42 = arith.constant 39 : i32
    %dma_wait3A_43 = arith.constant 0 : i32
    %dma_wait3A_44 = tpu.memref_slice %arg6[%dma_wait3A_42, %dma_wait3A_43] : memref<40x128xi32, #tpu.memory_space<vmem>> -> memref<1x128xi32, #tpu.memory_space<vmem>>
    %dma_wait3A_45 = tpu.memref_squeeze %dma_wait3A_44 : memref<1x128xi32, #tpu.memory_space<vmem>> -> memref<128xi32, #tpu.memory_space<vmem>>
    %dma_wait3A_46 = arith.constant 0 : i32
    %dma_wait3A_47 = arith.constant 0 : i32
    %dma_wait3A_48 = tpu.memref_slice %arg9[%dma_wait3A_46, %dma_wait3A_47] : memref<10240x128xf32, #tpu.memory_space<vmem_shared>> -> memref<10240x128xf32, #tpu.memory_space<vmem_shared>>
    tpu.wait_indirect_dma semaphore(%arg13 : memref<!tpu.dma_semaphore, #tpu.memory_space<semaphore_mem>>) src(%arg8 : memref<128x128xf32, #tpu.memory_space<vmem>>) dst(%dma_wait3A_48 : memref<10240x128xf32, #tpu.memory_space<vmem_shared>>)
    %barrier3A_49 = arith.constant 0 : index
    tpu.barrier barrier_id(%barrier3A_49)
    %mul3A_50 = arith.constant 640 : i32
    %mul3A_51 = arith.muli %arg1, %mul3A_50 : i32
    %mul3A_52 = arith.constant 640 : i32
    %mul3A_53 = arith.muli %arg1, %mul3A_52 : i32
    "tpu.region"() ({
      %run_scoped3A_54 = tpu.sem_alloc : memref<!tpu.dma_semaphore, #tpu.memory_space<semaphore_mem>>
      %dma_start3A_55 = arith.constant 0 : i32
      %dma_start3A_56 = tpu.memref_slice %arg4[%arg0, %mul3A_53, %dma_start3A_55] : memref<2x10240x128xf32, #tpu.memory_space<hbm>> -> memref<1x640x128xf32, #tpu.memory_space<hbm>>
      %dma_start3A_57 = tpu.memref_squeeze %dma_start3A_56 : memref<1x640x128xf32, #tpu.memory_space<hbm>> -> memref<640x128xf32, #tpu.memory_space<hbm>>
      %dma_start3A_58 = arith.constant 0 : i32
      %dma_start3A_59 = tpu.memref_slice %arg9[%mul3A_51, %dma_start3A_58] : memref<10240x128xf32, #tpu.memory_space<vmem_shared>> -> memref<640x128xf32, #tpu.memory_space<vmem_shared>>
      tpu.enqueue_dma source(%dma_start3A_59 : memref<640x128xf32, #tpu.memory_space<vmem_shared>>) target(%dma_start3A_57 : memref<640x128xf32, #tpu.memory_space<hbm>>) target_semaphore(%run_scoped3A_54 : memref<!tpu.dma_semaphore, #tpu.memory_space<semaphore_mem>>)
      %dma_wait3A_60 = arith.constant 0 : i32
      %dma_wait3A_61 = tpu.memref_slice %arg4[%arg0, %mul3A_53, %dma_wait3A_60] : memref<2x10240x128xf32, #tpu.memory_space<hbm>> -> memref<1x640x128xf32, #tpu.memory_space<hbm>>
      %dma_wait3A_62 = tpu.memref_squeeze %dma_wait3A_61 : memref<1x640x128xf32, #tpu.memory_space<hbm>> -> memref<640x128xf32, #tpu.memory_space<hbm>>
      %dma_wait3A_63 = arith.constant 0 : i32
      %dma_wait3A_64 = tpu.memref_slice %arg9[%mul3A_51, %dma_wait3A_63] : memref<10240x128xf32, #tpu.memory_space<vmem_shared>> -> memref<640x128xf32, #tpu.memory_space<vmem_shared>>
      tpu.wait_dma2 semaphore(%run_scoped3A_54 : memref<!tpu.dma_semaphore, #tpu.memory_space<semaphore_mem>>) src(%dma_wait3A_64 : memref<640x128xf32, #tpu.memory_space<vmem_shared>>) dst(%dma_wait3A_62 : memref<640x128xf32, #tpu.memory_space<hbm>>)
      tpu.yield
    }) : () -> ()
    return
  }
}

module attributes {stable_mosaic.version = 14 : i64} {
  func.func @_tc_prep_body(%arg0: i32, %arg1: memref<32x2048xf32, #tpu.memory_space<vmem>>, %arg2: memref<2048x128xf32, #tpu.memory_space<vmem>>, %arg3: memref<2048x128xf32, #tpu.memory_space<vmem>>) attributes {dimension_semantics = [#tpu.dimension_semantics<arbitrary>], iteration_bounds = array<i64: 5>, scalar_prefetch = 0 : i64, scratch_operands = 0 : i64, tpu.core_type = #tpu.core_type<tc>, window_params = [{transform_indices = @transform_0, window_bounds = array<i64: 32, 2048>}, {transform_indices = @transform_1, window_bounds = array<i64: 2048, 128>}, {transform_indices = @transform_2, window_bounds = array<i64: 2048, 128>}]} {
    %get3A = arith.constant 0 : index
    %get3A_0 = arith.constant 0 : index
    %get3A_1 = vector.load %arg1[%get3A, %get3A_0] : memref<32x2048xf32, #tpu.memory_space<vmem>>, vector<32x2048xf32>
    %reduce_sum3A = arith.constant dense<0.000000e+00> : vector<2048xf32>
    %reduce_sum3A_2 = vector.multi_reduction <add>, %get3A_1, %reduce_sum3A [0] : vector<32x2048xf32> to vector<2048xf32>
    %max3A = arith.constant 1.000000e+00 : f32
    %max3A_3 = vector.broadcast %max3A : f32 to vector<2048xf32>
    %max3A_4 = arith.maximumf %reduce_sum3A_2, %max3A_3 : vector<2048xf32>
    %rsqrt3A = math.rsqrt %max3A_4 : vector<2048xf32>
    %broadcast_in_dim3A = vector.shape_cast %rsqrt3A : vector<2048xf32> to vector<2048x1xf32>
    %get3A_5 = arith.constant 0 : index
    %get3A_6 = arith.constant 0 : index
    %get3A_7 = vector.load %arg2[%get3A_5, %get3A_6] : memref<2048x128xf32, #tpu.memory_space<vmem>>, vector<2048x128xf32>
    %mul3A = vector.broadcast %broadcast_in_dim3A : vector<2048x1xf32> to vector<2048x128xf32>
    %mul3A_8 = arith.mulf %get3A_7, %mul3A : vector<2048x128xf32>
    %swap3A = arith.constant 0 : index
    %swap3A_9 = arith.constant 0 : index
    %swap3A_10 = vector.load %arg3[%swap3A, %swap3A_9] : memref<2048x128xf32, #tpu.memory_space<vmem>>, vector<2048x128xf32>
    tpu.vector_store %arg3[%swap3A, %swap3A_9], %mul3A_8 {strides = array<i32>} : memref<2048x128xf32, #tpu.memory_space<vmem>>, vector<2048x128xf32>,
    return
  }
  func.func @transform_0(%arg0: i32) -> (i32, i32) {
    %c0_i32 = arith.constant 0 : i32
    %c0_i32_0 = arith.constant 0 : i32
    return %c0_i32, %arg0 : i32, i32
  }
  func.func @transform_1(%arg0: i32) -> (i32, i32) {
    %c0_i32 = arith.constant 0 : i32
    %c0_i32_0 = arith.constant 0 : i32
    return %arg0, %c0_i32 : i32, i32
  }
  func.func @transform_2(%arg0: i32) -> (i32, i32) {
    %c0_i32 = arith.constant 0 : i32
    %c0_i32_0 = arith.constant 0 : i32
    return %arg0, %c0_i32 : i32, i32
  }
}

module attributes {stable_mosaic.version = 14 : i64} {
  func.func @_tc_scale_body(%arg0: i32, %arg1: memref<2x2048x128xf32, #tpu.memory_space<vmem>>, %arg2: memref<32x2048xf32, #tpu.memory_space<vmem>>, %arg3: memref<2048x128xf32, #tpu.memory_space<vmem>>) attributes {dimension_semantics = [#tpu.dimension_semantics<arbitrary>], iteration_bounds = array<i64: 5>, scalar_prefetch = 0 : i64, scratch_operands = 0 : i64, tpu.core_type = #tpu.core_type<tc>, window_params = [{transform_indices = @transform_0, window_bounds = array<i64: 2, 2048, 128>}, {transform_indices = @transform_1, window_bounds = array<i64: 32, 2048>}, {transform_indices = @transform_2, window_bounds = array<i64: 2048, 128>}]} {
    %get3A = arith.constant 0 : index
    %get3A_0 = arith.constant 0 : index
    %get3A_1 = vector.load %arg2[%get3A, %get3A_0] : memref<32x2048xf32, #tpu.memory_space<vmem>>, vector<32x2048xf32>
    %reduce_sum3A = arith.constant dense<0.000000e+00> : vector<2048xf32>
    %reduce_sum3A_2 = vector.multi_reduction <add>, %get3A_1, %reduce_sum3A [0] : vector<32x2048xf32> to vector<2048xf32>
    %max3A = arith.constant 1.000000e+00 : f32
    %max3A_3 = vector.broadcast %max3A : f32 to vector<2048xf32>
    %max3A_4 = arith.maximumf %reduce_sum3A_2, %max3A_3 : vector<2048xf32>
    %div3A = arith.constant 1.000000e+00 : f32
    %div3A_5 = vector.broadcast %div3A : f32 to vector<2048xf32>
    %div3A_6 = arith.divf %div3A_5, %max3A_4 : vector<2048xf32>
    %broadcast_in_dim3A = vector.shape_cast %div3A_6 : vector<2048xf32> to vector<2048x1xf32>
    %get3A_7 = arith.constant 0 : index
    %get3A_8 = arith.constant 0 : index
    %get3A_9 = arith.constant 0 : index
    %get3A_10 = vector.load %arg1[%get3A_7, %get3A_8, %get3A_9] : memref<2x2048x128xf32, #tpu.memory_space<vmem>>, vector<1x2048x128xf32>
    %get3A_11 = vector.shape_cast %get3A_10 : vector<1x2048x128xf32> to vector<2048x128xf32>
    %get3A_12 = arith.constant 1 : index
    %get3A_13 = arith.constant 0 : index
    %get3A_14 = arith.constant 0 : index
    %get3A_15 = vector.load %arg1[%get3A_12, %get3A_13, %get3A_14] : memref<2x2048x128xf32, #tpu.memory_space<vmem>>, vector<1x2048x128xf32>
    %get3A_16 = vector.shape_cast %get3A_15 : vector<1x2048x128xf32> to vector<2048x128xf32>
    %add3A = arith.addf %get3A_11, %get3A_16 : vector<2048x128xf32>
    %mul3A = vector.broadcast %broadcast_in_dim3A : vector<2048x1xf32> to vector<2048x128xf32>
    %mul3A_17 = arith.mulf %add3A, %mul3A : vector<2048x128xf32>
    %swap3A = arith.constant 0 : index
    %swap3A_18 = arith.constant 0 : index
    %swap3A_19 = vector.load %arg3[%swap3A, %swap3A_18] : memref<2048x128xf32, #tpu.memory_space<vmem>>, vector<2048x128xf32>
    tpu.vector_store %arg3[%swap3A, %swap3A_18], %mul3A_17 {strides = array<i32>} : memref<2048x128xf32, #tpu.memory_space<vmem>>, vector<2048x128xf32>,
    return
  }
  func.func @transform_0(%arg0: i32) -> (i32, i32, i32) {
    %c0_i32 = arith.constant 0 : i32
    %c0_i32_0 = arith.constant 0 : i32
    %c0_i32_1 = arith.constant 0 : i32
    return %c0_i32, %arg0, %c0_i32_0 : i32, i32, i32
  }
  func.func @transform_1(%arg0: i32) -> (i32, i32) {
    %c0_i32 = arith.constant 0 : i32
    %c0_i32_0 = arith.constant 0 : i32
    return %c0_i32, %arg0 : i32, i32
  }
  func.func @transform_2(%arg0: i32) -> (i32, i32) {
    %c0_i32 = arith.constant 0 : i32
    %c0_i32_0 = arith.constant 0 : i32
    return %arg0, %c0_i32 : i32, i32
  }
}

module attributes {stable_mosaic.version = 14 : i64} {
  func.func @_tc_final_body(%arg0: i32, %arg1: memref<2x2048x128xf32, #tpu.memory_space<vmem>>, %arg2: memref<32x2048xf32, #tpu.memory_space<vmem>>, %arg3: memref<128x128xf32, #tpu.memory_space<vmem>>, %arg4: memref<1x128xf32, #tpu.memory_space<vmem>>, %arg5: memref<2048x128xf32, #tpu.memory_space<vmem>>) attributes {dimension_semantics = [#tpu.dimension_semantics<arbitrary>], iteration_bounds = array<i64: 5>, scalar_prefetch = 0 : i64, scratch_operands = 0 : i64, tpu.core_type = #tpu.core_type<tc>, window_params = [{transform_indices = @transform_0, window_bounds = array<i64: 2, 2048, 128>}, {transform_indices = @transform_1, window_bounds = array<i64: 32, 2048>}, {pipeline_mode = #tpu.pipeline_mode<synchronous>, transform_indices = @transform_2, window_bounds = array<i64: 128, 128>}, {pipeline_mode = #tpu.pipeline_mode<synchronous>, transform_indices = @transform_3, window_bounds = array<i64: 1, 128>}, {transform_indices = @transform_4, window_bounds = array<i64: 2048, 128>}]} {
    %get3A = arith.constant 0 : index
    %get3A_0 = arith.constant 0 : index
    %get3A_1 = vector.load %arg2[%get3A, %get3A_0] : memref<32x2048xf32, #tpu.memory_space<vmem>>, vector<32x2048xf32>
    %reduce_sum3A = arith.constant dense<0.000000e+00> : vector<2048xf32>
    %reduce_sum3A_2 = vector.multi_reduction <add>, %get3A_1, %reduce_sum3A [0] : vector<32x2048xf32> to vector<2048xf32>
    %max3A = arith.constant 1.000000e+00 : f32
    %max3A_3 = vector.broadcast %max3A : f32 to vector<2048xf32>
    %max3A_4 = arith.maximumf %reduce_sum3A_2, %max3A_3 : vector<2048xf32>
    %rsqrt3A = math.rsqrt %max3A_4 : vector<2048xf32>
    %broadcast_in_dim3A = vector.shape_cast %rsqrt3A : vector<2048xf32> to vector<2048x1xf32>
    %get3A_5 = arith.constant 0 : index
    %get3A_6 = arith.constant 0 : index
    %get3A_7 = arith.constant 0 : index
    %get3A_8 = vector.load %arg1[%get3A_5, %get3A_6, %get3A_7] : memref<2x2048x128xf32, #tpu.memory_space<vmem>>, vector<1x2048x128xf32>
    %get3A_9 = vector.shape_cast %get3A_8 : vector<1x2048x128xf32> to vector<2048x128xf32>
    %get3A_10 = arith.constant 1 : index
    %get3A_11 = arith.constant 0 : index
    %get3A_12 = arith.constant 0 : index
    %get3A_13 = vector.load %arg1[%get3A_10, %get3A_11, %get3A_12] : memref<2x2048x128xf32, #tpu.memory_space<vmem>>, vector<1x2048x128xf32>
    %get3A_14 = vector.shape_cast %get3A_13 : vector<1x2048x128xf32> to vector<2048x128xf32>
    %add3A = arith.addf %get3A_9, %get3A_14 : vector<2048x128xf32>
    %mul3A = vector.broadcast %broadcast_in_dim3A : vector<2048x1xf32> to vector<2048x128xf32>
    %mul3A_15 = arith.mulf %add3A, %mul3A : vector<2048x128xf32>
    %get3A_16 = arith.constant 0 : index
    %get3A_17 = arith.constant 0 : index
    %get3A_18 = vector.load %arg3[%get3A_16, %get3A_17] : memref<128x128xf32, #tpu.memory_space<vmem>>, vector<128x128xf32>
    %dot_general3A = arith.constant dense<0.000000e+00> : vector<2048x128xf32>
    %dot_general3A_19 = tpu.matmul %mul3A_15, %get3A_18, %dot_general3A {dimension_numbers = #tpu.dot_dimension_numbers<[1], [0], [0], [1], [0, 0, 1, 1], [], []>, transpose_lhs_hint = false} : vector<2048x128xf32>, vector<128x128xf32>, vector<2048x128xf32> -> vector<2048x128xf32>
    %get3A_20 = arith.constant 0 : index
    %get3A_21 = arith.constant 0 : index
    %get3A_22 = vector.load %arg4[%get3A_20, %get3A_21] : memref<1x128xf32, #tpu.memory_space<vmem>>, vector<1x128xf32>
    %add3A_23 = vector.broadcast %get3A_22 : vector<1x128xf32> to vector<2048x128xf32>
    %add3A_24 = arith.addf %dot_general3A_19, %add3A_23 : vector<2048x128xf32>
    %swap3A = arith.constant 0 : index
    %swap3A_25 = arith.constant 0 : index
    %swap3A_26 = vector.load %arg5[%swap3A, %swap3A_25] : memref<2048x128xf32, #tpu.memory_space<vmem>>, vector<2048x128xf32>
    tpu.vector_store %arg5[%swap3A, %swap3A_25], %add3A_24 {strides = array<i32>} : memref<2048x128xf32, #tpu.memory_space<vmem>>, vector<2048x128xf32>,
    return
  }
  func.func @transform_0(%arg0: i32) -> (i32, i32, i32) {
    %c0_i32 = arith.constant 0 : i32
    %c0_i32_0 = arith.constant 0 : i32
    %c0_i32_1 = arith.constant 0 : i32
    return %c0_i32, %arg0, %c0_i32_0 : i32, i32, i32
  }
  func.func @transform_1(%arg0: i32) -> (i32, i32) {
    %c0_i32 = arith.constant 0 : i32
    %c0_i32_0 = arith.constant 0 : i32
    return %c0_i32, %arg0 : i32, i32
  }
  func.func @transform_2(%arg0: i32) -> (i32, i32) {
    %c0_i32 = arith.constant 0 : i32
    %c0_i32_0 = arith.constant 0 : i32
    %c0_i32_1 = arith.constant 0 : i32
    return %c0_i32, %c0_i32_0 : i32, i32
  }
  func.func @transform_3(%arg0: i32) -> (i32, i32) {
    %c0_i32 = arith.constant 0 : i32
    %c0_i32_0 = arith.constant 0 : i32
    %c0_i32_1 = arith.constant 0 : i32
    return %c0_i32, %c0_i32_0 : i32, i32
  }
  func.func @transform_4(%arg0: i32) -> (i32, i32) {
    %c0_i32 = arith.constant 0 : i32
    %c0_i32_0 = arith.constant 0 : i32
    return %arg0, %c0_i32 : i32, i32
  }
}

</mosaic_0001>

<sc_bundles>
// kernel: kernel.11.cloned.1.call-start
scs
__scs_entry_jumppad:
0x0: {  	(pc) =	sbr.rel $0x88, $3  }
0x1: {  	(tag) =	ssettag $0x0;
	lr =	simm.s32 $0x1  }
0x2: {  	[smem:$0x3F9D] =	sst lr;
	_ =	strace $0xD0000000  }
0x3: {  	_ = 	snop  }
0x4: {  	_ = 	snop  }
0x5: {  	_ = 	snop  }
0x6: {  	_ = 	snop  }
0x7: {  	_ = 	snop  }
__scs_overlays_trampoline_lowered:
0x8: {  	[smem:$0x3FAC] =	sst s0  }
0x9: {  	[smem:$0x3FAD] =	sst s1  }
0xa: {  	[smem:$0x3FAE] =	sst s2  }
0xb: {  	[smem:$0x3FAF] =	sst s3  }
0xc: {  	[smem:$0x3FB0] =	sst s4  }
0xd: {  	[smem:$0x3FB1] =	sst s5  }
0xe: {  	[smem:$0x3FB2] =	sst s6  }
0xf: {  	[smem:$0x3FB3] =	sst s7  }
0x10: {  	[smem:$0x3FB4] =	sst s8  }
0x11: {  	[smem:$0x3FB5] =	sst s9;
	s0 =	simm.s32 @!p0 $0x0  }
0x12: {  	s1 =	sld [smem:$0x3F9B];
	s0 =	simm.s32 @p0 $0x1  }
0x13: {  	[smem:$0x3FB6] =	sst s0;
	s0 =	simm.s32 @!p1 $0x0  }
0x14: {  	s2 =	sld [smem:$0x3F9A];
	s0 =	simm.s32 @p1 $0x1  }
0x15: {  	[smem:$0x3FB7] =	sst s0;
	s0 =	simm.s32 @!p2 $0x0  }
0x16: {  	s3 =	sld [smem:$0x3FDB];
	s0 =	simm.s32 @p2 $0x1  }
0x17: {  	s4 =	simm.s32 $0x1BF5;
	[smem:$0x3FB9] =	sst s0  }
0x18: {  	s0 =	sld [smem:$0x3F9C];
	_ =	swait.ge [sflag:s4], $0x0  }
0x19: {  	s7 =	sld [smem:$0x3F9D]  }
0x1a: {  	s8 =	sadd.s32 $0xFFFFE003, lr  }
0x1b: {  	s9 =	sadd.s32 $0xFFFFFEF7, lr;
	s5 =	simm.s32 $0xFFFFFFFF;
	p2 =	slt.u32 s8, $0xFFFFF086  }
0x1c: {  	p1 =	slt.u32 s9, $0xF7A;
	s5 =	simm.s32 @!p2 $0x0  }
0x1d: {  	s5 =	simm.s32 @p1 $0x1;
	p0 =	seq.s32 s7, s2  }
0x1e: {  	s7 =	smul.u32 @!p0 $0xF7A, s2;
	p2 =	seq.s32 @!p0 s5, $0x0  }
0x1f: {  	s9 =	smul.u32 $0xF7A, s1;
	s8 =	simm.s32 @!p0 $0x1BF5;
	p2 =	por !p2, p0  }
0x20: {  	[sflag:s8] =	ssyncset.s32 @!p0 $0xFFFFF086;
	s6 =	sadd.s32 @!p0 s3, s7;
	s7 =	simm.s32 @!p0 $0x108  }
0x21: {  	s3 =	sadd.s32 s3, s9;
	s6 =	sadd.s32 @!p0 $0x88, s6;
	s7 =	simm.s32 @p2 $0x1082  }
0x22: {  	[simem:s7], [sflag:s8] =	dma.local @!p0 [hbm:s6], $0xF7A  }
0x23: {  	s9 =	sor.u32 $0xD0000000, s2;
	s6 =	simm.s32 $0x108;
	_ =	swait.ge @!p0 [sflag:s8], $0x0  }
0x24: {  	s3 =	sadd.s32 $0x88, s3;
	s6 =	simm.s32 @!p1 $0x1082;
	[sflag:s4] =	ssyncset.s32 $0xFFFFF086  }
0x25: {  	[simem:s6], [sflag:s4] =	dma.local [hbm:s3], $0xF7A  }
0x26: {  	[smem:$0x3F9D] =	sst s1;
	(tag) =	ssettag s2;
	_ =	strace s9  }
0x27: {  	s1 =	sld [smem:$0x3FAD]  }
0x28: {  	s2 =	sld [smem:$0x3FAE]  }
0x29: {  	s4 =	sld [smem:$0x3FB0]  }
0x2a: {  	p0 =	seq.s32 s5, $0x0;
	s5 =	sld [smem:$0x3FB1]  }
0x2b: {  	s6 =	sld [smem:$0x3FB2]  }
0x2c: {  	s7 =	sld [smem:$0x3FB3]  }
0x2d: {  	s3 =	simm.s32 $0x108;
	s8 =	sld [smem:$0x3FB4]  }
0x2e: {  	s3 =	simm.s32 @!p0 $0x1082;
	s9 =	sld [smem:$0x3FB5]  }
0x2f: {  	lr =	sadd.s32 s0, s3;
	s0 =	sld [smem:$0x3FAC]  }
0x30: {  	s3 =	sld [smem:$0x3FAF]  }
0x31: {  	[smem:$0x3FB8] =	sst s10  }
0x32: {  	s10 =	sld [smem:$0x3FB6];
	_ =	sdelay $0x3  }
0x33: {  	p0 =	seq.s32 s10, $0x1;
	s10 =	sld [smem:$0x3FB8];
	_ =	sdelay $0x3  }
0x34: {  	[smem:$0x3FB8] =	sst s10  }
0x35: {  	s10 =	sld [smem:$0x3FB7];
	_ =	sdelay $0x3  }
0x36: {  	p1 =	seq.s32 s10, $0x1;
	s10 =	sld [smem:$0x3FB8];
	_ =	sdelay $0x3  }
0x37: {  	[smem:$0x3FB8] =	sst s10  }
0x38: {  	s10 =	sld [smem:$0x3FB9]  }
0x39: {  	_ = 	snop;
	(pc) =	sbr.ind lr, $3  }
0x3a: {  	_ = 	snop  }
0x3b: {  	_ = 	snop  }
0x3c: {  	p2 =	seq.s32 s10, $0x1;
	s10 =	sld [smem:$0x3FB8]  }
0x3d: {  	_ =	shalt  }
0x3e: {  	_ =	shalt  }
0x3f: {  	_ =	shalt  }
0x40: {  	_ =	shalt  }
0x41: {  	_ =	shalt  }
0x42: {  	_ =	shalt  }
0x43: {  	_ =	shalt  }
0x44: {  	_ =	shalt  }
0x45: {  	_ =	shalt  }
0x46: {  	_ =	shalt  }
0x47: {  	_ =	shalt  }
0x48: {  	_ =	shalt  }
0x49: {  	_ =	shalt  }
0x4a: {  	_ =	shalt  }
0x4b: {  	_ =	shalt  }
0x4c: {  	_ =	shalt  }
0x4d: {  	_ =	shalt  }
0x4e: {  	_ =	shalt  }
0x4f: {  	_ =	shalt  }
0x50: {  	_ =	shalt  }
0x51: {  	_ =	shalt  }
0x52: {  	_ =	shalt  }
0x53: {  	_ =	shalt  }
0x54: {  	_ =	shalt  }
0x55: {  	_ =	shalt  }
0x56: {  	_ =	shalt  }
0x57: {  	_ =	shalt  }
0x58: {  	_ =	shalt  }
0x59: {  	_ =	shalt  }
0x5a: {  	_ =	shalt  }
0x5b: {  	_ =	shalt  }
0x5c: {  	_ =	shalt  }
0x5d: {  	_ =	shalt  }
0x5e: {  	_ =	shalt  }
0x5f: {  	_ =	shalt  }
0x60: {  	_ =	shalt  }
0x61: {  	_ =	shalt  }
0x62: {  	_ =	shalt  }
0x63: {  	_ =	shalt  }
0x64: {  	_ =	shalt  }
0x65: {  	_ =	shalt  }
0x66: {  	_ =	shalt  }
0x67: {  	_ =	shalt  }
0x68: {  	_ =	shalt  }
0x69: {  	_ =	shalt  }
0x6a: {  	_ =	shalt  }
0x6b: {  	_ =	shalt  }
0x6c: {  	_ =	shalt  }
0x6d: {  	_ =	shalt  }
0x6e: {  	_ =	shalt  }
0x6f: {  	_ =	shalt  }
0x70: {  	_ =	shalt  }
0x71: {  	_ =	shalt  }
0x72: {  	_ =	shalt  }
0x73: {  	_ =	shalt  }
0x74: {  	_ =	shalt  }
0x75: {  	_ =	shalt  }
0x76: {  	_ =	shalt  }
0x77: {  	_ =	shalt  }
0x78: {  	_ =	shalt  }
0x79: {  	_ =	shalt  }
0x7a: {  	_ =	shalt  }
0x7b: {  	_ =	shalt  }
0x7c: {  	_ =	shalt  }
0x7d: {  	_ =	shalt  }
0x7e: {  	_ =	shalt  }
0x7f: {  	_ =	shalt  }
0x80: {  	_ =	shalt  }
0x81: {  	_ =	shalt  }
0x82: {  	_ =	shalt  }
0x83: {  	_ =	shalt  }
0x84: {  	_ =	shalt  }
0x85: {  	_ =	shalt  }
0x86: {  	_ =	shalt  }
0x87: {  	_ =	shalt  }
.Lfunc_end0:
.L_simem_size_0:
called_computation.1_lowered:
.L_overlay_start_0:
0x88: {  	s2 =	sld [smem:$0x3FD9]  }
0x89: {  	s3 =	sld [smem:$0x3FFE];
	_ =	sdelay $0x1  }
0x8a: {  	s1 =	srdreg.scid  }
0x8b: {  	s0 =	sand.u32 $0x1, s1  }
0x8c: {  	s17 =	sshll.u32 s0, $0xA;
	s2 =	sadd.s32 s3, s2  }
0x8d: {  	s2 =	sadd.s32 s2, s17  }
0x8e: {  	[smem:$0x3FC4] =	sst s2  }
0x8f: {  	_ = 	snop  }
0x90: {  	s2 =	sld [smem:$0x3FD0];
	(tm) =	ssettm $0x1  }
0x91: {  	s18 =	sld [smem:$0x3FFB];
	_ =	sdelay $0x3  }
0x92: {  	_ =	strace s18  }
0x93: {  	s3 =	sld [smem:$0x3FFC];
	_ =	sdelay $0x3  }
0x94: {  	_ =	strace s3  }
0x95: {  	s3 =	sld [smem:$0x3FFD];
	_ =	sdelay $0x3  }
0x96: {  	_ =	strace s3  }
0x97: {  	_ =	strace $0x8FFFFFFF  }
0x98: {  	s19 =	sld [smem:$0x3FDB];
	_ =	sdelay $0x1  }
0x99: {  	s4 =	simm.s32 $_scs_section_size  }
0x9a: {  	s5 =	simm.s32 $_size__tile_overlayer_lowered;
	s6 =	simm.s32 $_tile_overlayer_lowered  }
0x9b: {  	s22 =	simm.s32 $0x1BFF;
	s21 =	sshll.u32 s6, $0x1;
	s3 =	sadd.s32 s4, s19  }
0x9c: {  	s7 =	simm.s32 $0x0;
	s20 =	sshll.u32 s5, $0x1;
	s5 =	sadd.s32 s21, s3  }
0x9d: {  	[timem:s7], [sflag:s22] =	dma.local [hbm:s5], s20  }
0x9e: {  	_ =	swait.ge [sflag:s22], s20  }
0x9f: {  	s4 =	ssub.s32 $0x0, s20;
	[sflag:s22] =	ssyncset.done $0x0  }
0xa0: {  	[sflag:s22] =	ssyncadd.s32 s4;
	_ =	sdelay $0x1  }
0xa1: {  	s23 =	simm.s32 $0x1B8B  }
0xa2: {  	_ =	swait.ge [sflag:s23], $0x1  }
0xa3: {  	[sflag:s23] =	ssyncset.done $0x0  }
0xa4: {  	s25 =	simm.s32 $0x1B8E;
	s24 =	sld [smem:$0x3FFE];
	[sflag:s23] =	ssyncadd.s32 $0xFFFFFFFF  }
0xa5: {  	s26 =	simm.s32 $execute0_lowered;
	[smem:$0x3FD2] =	sst s25  }
0xa6: {  	s5 =	sshll.u32 s26, $0x1;
	_ =	strace $0x80000049;
	[dreg:$0x1] =	wrdreg $0xFFFFFFFF  }
0xa7: {  	s28 =	simm.s32 $_size_execute0_lowered;
	s3 =	sadd.s32 s3, s5;
	[dreg:$0x0] =	wrdreg $0x0  }
0xa8: {  	s5 =	sshll.u32 s28, $0x1;
	[dreg:$0x2] =	wrdreg s3  }
0xa9: {  	[dreg:$0x3] =	wrdreg s5  }
0xaa: {  	[dreg:$0x4] =	wrdreg $0xC0  }
0xab: {  	_ =	task [dreg:s7], $0x5FFFF  }
0xac: {  	[dreg:$0x1] =	wrdreg $0xFFFFFFFF  }
0xad: {  	[dreg:$0x0] =	wrdreg $0x60  }
0xae: {  	[dreg:$0x2] =	wrdreg s24  }
0xaf: {  	[dreg:$0x3] =	wrdreg s2  }
0xb0: {  	[dreg:$0x4] =	wrdreg $0xA8000  }
0xb1: {  	[dreg:$0x5] =	wrdreg $0x9  }
0xb2: {  	_ =	task.clear_ibuf [dreg:s7], $0x6FFFF;
	_ =	strace $0x90000049  }
0xb3: {  	s29 =	simm.s32 $0x9;
	_ =	strace $0x8000004B  }
0xb4: {  	_ =	swait.ge [sflag:s29], $0x1  }
0xb5: {  	[sflag:s29] =	ssyncadd.s32 $0xFFFFFFFF  }
0xb6: {  	_ =	strace $0x9000004B  }
0xb7: {  	_ =	sfence  }
0xb8: {  	s30 =	sld [smem:$0x0];
	_ =	sdelay $0x2  }
0xb9: {  	s31 =	sshll.u32 s1, $0xD;
	s1 =	sshrl.u32 s1, $0x2  }
0xba: {  	s3 =	sand.u32 $0x4000, s31;
	s1 =	sadd.s32 s1, s30  }
0xbb: {  	s0 =	sor.u32 s3, s0;
	s1 =	sshll.u32 s1, $0x11  }
0xbc: {  	s0 =	sor.u32 s1, s0  }
0xbd: {  	s0 =	sadd.s32 $0x8F2B, s0  }
0xbe: {  	[sflag:s0] =	ssyncadd.remote.s32 $0x1  }
0xbf: {  	_ =	sfence.sel $0xFFFF  }
0xc0: {  	[dreg:$0x0] =	wrdreg $0xFFFFFFFF;
	(pc) =	sbr.abs _section_cstart, $3  }
0xc1: {  	[dreg:$0x1] =	wrdreg $0xFFFFFFFF  }
0xc2: {  	_ =	task.clear_ibuf [dreg:s7], $0x2FFFF;
	_ =	strace $0x9FFFFFFF  }
0xc3: {  	(tm) =	ssettm $0x7FFFFFFF  }
tec
execute0_lowered:
.L_overlay_start_1:
0x0: {  	(tag) =	ssettag $0x1  }
0x1: {  	s0 =	rddreg [dreg:$0x0]  }
0x2: {  	s1 =	rddreg [dreg:$0x1];
	s3 =	srdreg.scid  }
0x3: {  	s2 =	rddreg [dreg:$0x2];
	s8 =	stileid.u32;
	s16 =	simm.s32 $0x2800  }
0x4: {  	s17 =	simm.s32 $0x5;
	s18 =	simm.s32 $0x1400;
	s19 =	simm.s32 $0x80  }
0x5: {  	s20 =	simm.s32 $0x6800;
	s21 =	simm.s32 $0x1;
	s22 =	simm.s32 $0x3  }
0x6: {  	s28 =	simm.s32 $0x1380;
	s29 =	simm.s32 $0x2700;
	s6 =	smul.u32 $0x14000, s8  }
0x7: {  	s30 =	simm.s32 $0x2780;
	s5 =	sand.u32 $0x1, s3;
	s24 =	smul.u32 $0x50000, s8  }
0x8: {  	s3 =	simm.s32 $0x0;
	s7 =	sshll.u32 s8, $0x1;
	s4 =	smul.u32 $0x140000, s5  }
0x9: {  	[smem:$0x7FF] =	sst s3;
	s23 =	sor.u32 s5, s7;
	s5 =	ssub.s32 $0x2, s5  }
0xa: {  	s31 =	simm.s32 $0x0;
	_ =	strace $0x8000004A;
	s26 =	sshrl.u32 s5, $0x1  }
0xb: {  	s7 =	sshrl.u32 s24, $0x2;
	s24 =	simm.s32 $0x2;
	s4 =	sadd.s32 s6, s4  }
0xc: {  	s6 =	smul.u32 $0x2800, s23;
	s11 =	ssub.s32 s5, s26;
	s5 =	sadd.s32 s7, s2  }
0xd: {  	s23 =	simm.s32 $0x100;
	s26 =	simm.s32 $0x4;
	s25 =	sshrl.u32 s4, $0x3  }
0xe: {  	s4 =	sadd.s32 $0x2200, s0;
	s11 =	smax.u32 s11, $0x1;
	s12 =	sadd.s32 $0x4000, s5  }
0xf: {  	s13 =	sadd.s32 $0x8000, s5;
	s14 =	sadd.s32 $0xC000, s5;
	s6 =	sshrl.u32 s6, $0x3  }
0x10: {  	s15 =	sadd.s32 $0x10000, s5;
	s0 =	sadd.s32 s25, s0;
	s6 =	sadd.s32 s1, s6  }
0x11: {  	s25 =	simm.s32 $0x1480;
	s10 =	sadd.s32 $0x2A200, s0;
	s1 =	sadd.s32 $0xA000, s6  }
0x12: {  	v0 =	vimm.f32 $0.0e+00;
	s8 =	sadd.s32 $0x280, s6;
	s9 =	sadd.s32 $0xA280, s6;
	[dreg:$0x4] =	wrdreg s1  }
.LBB2_1:
0x13: {  	s0 =	simm.s32 $0x0;
	s1 =	simm.s32 $0x200  }
.LBB2_2:
0x14: {  	p0 =	sne.s32 s1, $0xFE00;
	[tilespmem:s0+$0x2870] =	vst v0  }
0x15: {  	[tilespmem:s0+$0x2800] =	vst v0  }
0x16: {  	[tilespmem:s0+$0x2810] =	vst v0  }
.Ltmp0:
0x17: {  	[tilespmem:s0+$0x2820] =	vst v0;
	(pc) =	sbr.rel @p0 .LBB2_2-.Ltmp0, $4  }
0x18: {  	[tilespmem:s0+$0x2830] =	vst v0  }
0x19: {  	[tilespmem:s0+$0x2840] =	vst v0  }
0x1a: {  	[tilespmem:s0+$0x2850] =	vst v0  }
0x1b: {  	[tilespmem:s0+$0x2860] =	vst v0;
	s0 =	sshra.s32 s1, $0x2;
	s1 =	sadd.s32 $0x200, s1  }
0x1c: {  	[tilespmem:s0+$0x2870] =	vst v0  }
0x1d: {  	[tilespmem:s0+$0x2800] =	vst v0  }
0x1e: {  	[tilespmem:s0+$0x2810] =	vst v0  }
0x1f: {  	[tilespmem:s0+$0x2820] =	vst v0  }
0x20: {  	[tilespmem:s0+$0x2830] =	vst v0  }
0x21: {  	[tilespmem:s0+$0x2840] =	vst v0  }
0x22: {  	[tilespmem:s0+$0x2850] =	vst v0  }
0x23: {  	[tilespmem:s0+$0x2860] =	vst v0  }
0x24: {  	[spmem:s5] =	stream.linear.scatter [tilespmem:s16], [sflag:$0x5], $0x4000, $0x38;
	[tilespmem:$0x1E800] =	vst v63  }
0x25: {  	_ =	swait.ge [sflag:s17], $0x4000  }
0x26: {  	[sflag:s17] =	ssyncset.done $0x0  }
0x27: {  	[sflag:s17] =	ssyncadd.s32 $0xFFFFC000  }
0x28: {  	[spmem:s12] =	stream.linear.scatter [tilespmem:s16], [sflag:$0x5], $0x4000, $0x38;
	[tilespmem:$0x1E800] =	vst v63  }
0x29: {  	_ =	swait.ge [sflag:s17], $0x4000  }
0x2a: {  	[sflag:s17] =	ssyncset.done $0x0  }
0x2b: {  	[sflag:s17] =	ssyncadd.s32 $0xFFFFC000  }
0x2c: {  	[spmem:s13] =	stream.linear.scatter [tilespmem:s16], [sflag:$0x5], $0x4000, $0x38;
	[tilespmem:$0x1E800] =	vst v63  }
0x2d: {  	_ =	swait.ge [sflag:s17], $0x4000  }
0x2e: {  	[sflag:s17] =	ssyncset.done $0x0  }
0x2f: {  	[sflag:s17] =	ssyncadd.s32 $0xFFFFC000  }
0x30: {  	[spmem:s14] =	stream.linear.scatter [tilespmem:s16], [sflag:$0x5], $0x4000, $0x38;
	[tilespmem:$0x1E800] =	vst v63  }
0x31: {  	_ =	swait.ge [sflag:s17], $0x4000  }
0x32: {  	[sflag:s17] =	ssyncset.done $0x0  }
0x33: {  	[sflag:s17] =	ssyncadd.s32 $0xFFFFC000  }
0x34: {  	[spmem:s15] =	stream.linear.scatter [tilespmem:s16], [sflag:$0x5], $0x4000, $0x38;
	[tilespmem:$0x1E800] =	vst v63  }
0x35: {  	_ =	swait.ge [sflag:s17], $0x4000  }
0x36: {  	[sflag:s17] =	ssyncset.done $0x0  }
0x37: {  	[sflag:s17] =	ssyncadd.s32 $0xFFFFC000  }
0x38: {  	[tilespmem:s3], [sflag:$0x5] =	stream.linear.gather [hbm4b:s6+s3], $0x1400, $0x38;
	[tilespmem:$0x1E800] =	vst v63  }
0x39: {  	_ =	swait.ge [sflag:s17], $0x1400  }
0x3a: {  	[sflag:s17] =	ssyncset.done $0x0  }
0x3b: {  	s1 =	rddreg [dreg:$0x4];
	[sflag:s17] =	ssyncadd.s32 $0xFFFFEC00  }
0x3c: {  	[tilespmem:s18], [sflag:$0x5] =	stream.linear.gather [hbm4b:s1+s3], $0x1400, $0x38;
	[tilespmem:$0x1E800] =	vst v63  }
0x3d: {  	_ =	swait.ge [sflag:s17], $0x1400  }
0x3e: {  	[sflag:s17] =	ssyncset.done $0x0  }
0x3f: {  	[sflag:s17] =	ssyncadd.s32 $0xFFFFEC00  }
0x40: {  	[tilespmem:s16], [sflag:$0x1] =	stream.indirect.gather [hbm4b:s4+s19], $0x80, s3, s19, $0xb8;
	[tilespmem:$0x1E800] =	vst v63  }
0x41: {  	[bflag:$0x0] =	sbarrier.arrive $0xFFFF  }
0x42: {  	[tilespmem:s20], [sflag:$0x2] =	stream.indirect.gather [hbm4b:s4+s19], $0x80, s19, s19, $0xb8;
	[tilespmem:$0x1E800] =	vst v63  }
0x43: {  	_ =	swait.ge [sflag:s21], $0x4000  }
0x44: {  	[sflag:s21] =	ssyncset.done $0x0  }
0x45: {  	[sflag:s21] =	ssyncadd.s32 $0xFFFFC000  }
0x46: {  	[spmem:s2] =	stream.indirect.scatter.add.f32 [tilespmem:s16], [sflag:$0x3], $0x80, s18, s19, $0xb8;
	[tilespmem:$0x1E800] =	vst v63  }
0x47: {  	_ =	swait.ge [sflag:s22], $0x4000  }
0x48: {  	[sflag:s22] =	ssyncset.done $0x0  }
0x49: {  	[sflag:s22] =	ssyncadd.s32 $0xFFFFC000  }
0x4a: {  	[tilespmem:s16], [sflag:$0x1] =	stream.indirect.gather [hbm4b:s4+s19], $0x80, s23, s19, $0xb8;
	[tilespmem:$0x1E800] =	vst v63  }
0x4b: {  	_ =	swait.ge [sflag:s24], $0x4000  }
0x4c: {  	[sflag:s24] =	ssyncset.done $0x0  }
0x4d: {  	[sflag:s24] =	ssyncadd.s32 $0xFFFFC000  }
0x4e: {  	[spmem:s2] =	stream.indirect.scatter.add.f32 [tilespmem:s20], [sflag:$0x4], $0x80, s25, s19, $0xb8;
	[tilespmem:$0x1E800] =	vst v63  }
0x4f: {  	_ =	swait.ge [sflag:s26], $0x4000  }
0x50: {  	[sflag:s26] =	ssyncset.done $0x0  }
0x51: {  	s7 =	simm.s32 $0x180;
	[sflag:s26] =	ssyncadd.s32 $0xFFFFC000  }
0x52: {  	[tilespmem:s20], [sflag:$0x2] =	stream.indirect.gather [hbm4b:s4+s19], $0x80, s7, s19, $0xb8;
	[tilespmem:$0x1E800] =	vst v63  }
0x53: {  	_ =	swait.ge [sflag:s21], $0x4000  }
0x54: {  	[sflag:s21] =	ssyncset.done $0x0  }
0x55: {  	s1 =	simm.s32 $0x1500;
	[sflag:s21] =	ssyncadd.s32 $0xFFFFC000  }
0x56: {  	[spmem:s2] =	stream.indirect.scatter.add.f32 [tilespmem:s16], [sflag:$0x3], $0x80, s1, s19, $0xb8;
	[tilespmem:$0x1E800] =	vst v63  }
0x57: {  	_ =	swait.ge [sflag:s22], $0x4000  }
0x58: {  	[sflag:s22] =	ssyncset.done $0x0  }
0x59: {  	s7 =	simm.s32 $0x200;
	[sflag:s22] =	ssyncadd.s32 $0xFFFFC000  }
0x5a: {  	[tilespmem:s16], [sflag:$0x1] =	stream.indirect.gather [hbm4b:s4+s19], $0x80, s7, s19, $0xb8;
	[tilespmem:$0x1E800] =	vst v63  }
0x5b: {  	_ =	swait.ge [sflag:s24], $0x4000  }
0x5c: {  	[sflag:s24] =	ssyncset.done $0x0  }
0x5d: {  	s0 =	simm.s32 $0xFFFFBC00;
	s1 =	simm.s32 $0x1580;
	[sflag:s24] =	ssyncadd.s32 $0xFFFFC000  }
.LBB2_4:
0x5e: {  	[spmem:s2] =	stream.indirect.scatter.add.f32 [tilespmem:s20], [sflag:$0x4], $0x80, s1, s19, $0xb8;
	[tilespmem:$0x1E800] =	vst v63  }
0x5f: {  	s1 =	smov.u32 s0  }
0x60: {  	p0 =	sne.s32 s0, $0xFFFFFC00;
	s0 =	sadd.s32 $0x400, s0;
	_ =	swait.ge [sflag:s26], $0x4000  }
0x61: {  	s1 =	sshra.s32 s1, $0x2;
	[sflag:s26] =	ssyncset.done $0x0  }
0x62: {  	s7 =	sadd.s32 $0x1380, s1;
	[sflag:s26] =	ssyncadd.s32 $0xFFFFC000  }
0x63: {  	[tilespmem:s20], [sflag:$0x2] =	stream.indirect.gather [hbm4b:s4+s19], $0x80, s7, s19, $0xb8;
	[tilespmem:$0x1E800] =	vst v63  }
0x64: {  	_ =	swait.ge [sflag:s21], $0x4000  }
0x65: {  	[sflag:s21] =	ssyncset.done $0x0  }
0x66: {  	s7 =	sadd.s32 $0x2700, s1;
	[sflag:s21] =	ssyncadd.s32 $0xFFFFC000  }
0x67: {  	[spmem:s2] =	stream.indirect.scatter.add.f32 [tilespmem:s16], [sflag:$0x3], $0x80, s7, s19, $0xb8;
	[tilespmem:$0x1E800] =	vst v63  }
0x68: {  	_ =	swait.ge [sflag:s22], $0x4000  }
0x69: {  	[sflag:s22] =	ssyncset.done $0x0  }
.Ltmp1:
0x6a: {  	s7 =	sadd.s32 $0x1400, s1;
	[sflag:s22] =	ssyncadd.s32 $0xFFFFC000;
	(pc) =	sbr.rel @p0 .LBB2_4-.Ltmp1, $4  }
0x6b: {  	[tilespmem:s16], [sflag:$0x1] =	stream.indirect.gather [hbm4b:s4+s19], $0x80, s7, s19, $0xb8;
	[tilespmem:$0x1E800] =	vst v63  }
0x6c: {  	_ =	swait.ge [sflag:s24], $0x4000  }
0x6d: {  	[sflag:s24] =	ssyncset.done $0x0  }
0x6e: {  	s1 =	sadd.s32 $0x2780, s1;
	[sflag:s24] =	ssyncadd.s32 $0xFFFFC000  }
0x6f: {  	[spmem:s2] =	stream.indirect.scatter.add.f32 [tilespmem:s20], [sflag:$0x4], $0x80, s1, s19, $0xb8;
	[tilespmem:$0x1E800] =	vst v63  }
0x70: {  	_ =	swait.ge [sflag:s26], $0x4000  }
0x71: {  	[sflag:s26] =	ssyncset.done $0x0  }
0x72: {  	[sflag:s26] =	ssyncadd.s32 $0xFFFFC000  }
0x73: {  	[tilespmem:s20], [sflag:$0x2] =	stream.indirect.gather [hbm4b:s4+s19], $0x80, s28, s19, $0xb8;
	[tilespmem:$0x1E800] =	vst v63  }
0x74: {  	_ =	swait.ge [sflag:s21], $0x4000  }
0x75: {  	[sflag:s21] =	ssyncset.done $0x0  }
0x76: {  	[sflag:s21] =	ssyncadd.s32 $0xFFFFC000  }
0x77: {  	[spmem:s2] =	stream.indirect.scatter.add.f32 [tilespmem:s16], [sflag:$0x3], $0x80, s29, s19, $0xb8;
	[tilespmem:$0x1E800] =	vst v63  }
0x78: {  	_ =	swait.ge [sflag:s22], $0x4000  }
0x79: {  	[sflag:s22] =	ssyncset.done $0x0  }
0x7a: {  	[sflag:s22] =	ssyncadd.s32 $0xFFFFC000  }
0x7b: {  	_ =	swait.ge [sflag:s24], $0x4000  }
0x7c: {  	[sflag:s24] =	ssyncset.done $0x0  }
0x7d: {  	[sflag:s24] =	ssyncadd.s32 $0xFFFFC000  }
0x7e: {  	[spmem:s2] =	stream.indirect.scatter.add.f32 [tilespmem:s20], [sflag:$0x4], $0x80, s30, s19, $0xb8;
	[tilespmem:$0x1E800] =	vst v63  }
0x7f: {  	_ =	swait.ge [sflag:s26], $0x4000  }
0x80: {  	[sflag:s26] =	ssyncset.done $0x0  }
0x81: {  	[sflag:s26] =	ssyncadd.s32 $0xFFFFC000  }
0x82: {  	[tilespmem:s3], [sflag:$0x5] =	stream.linear.gather [hbm4b:s8+s3], $0x1400, $0x38;
	[tilespmem:$0x1E800] =	vst v63  }
0x83: {  	_ =	swait.ge [sflag:s17], $0x1400  }
0x84: {  	[sflag:s17] =	ssyncset.done $0x0  }
0x85: {  	[sflag:s17] =	ssyncadd.s32 $0xFFFFEC00  }
0x86: {  	[tilespmem:s18], [sflag:$0x5] =	stream.linear.gather [hbm4b:s9+s3], $0x1400, $0x38;
	[tilespmem:$0x1E800] =	vst v63  }
0x87: {  	_ =	swait.ge [sflag:s17], $0x1400  }
0x88: {  	[sflag:s17] =	ssyncset.done $0x0  }
0x89: {  	[sflag:s17] =	ssyncadd.s32 $0xFFFFEC00  }
0x8a: {  	[tilespmem:s16], [sflag:$0x1] =	stream.indirect.gather [hbm4b:s4+s19], $0x80, s3, s19, $0xb8;
	[tilespmem:$0x1E800] =	vst v63  }
0x8b: {  	_ = 	snop  }
0x8c: {  	[tilespmem:s20], [sflag:$0x2] =	stream.indirect.gather [hbm4b:s4+s19], $0x80, s19, s19, $0xb8;
	[tilespmem:$0x1E800] =	vst v63  }
0x8d: {  	_ =	swait.ge [sflag:s21], $0x4000  }
0x8e: {  	[sflag:s21] =	ssyncset.done $0x0  }
0x8f: {  	[sflag:s21] =	ssyncadd.s32 $0xFFFFC000  }
0x90: {  	[spmem:s2] =	stream.indirect.scatter.add.f32 [tilespmem:s16], [sflag:$0x3], $0x80, s18, s19, $0xb8;
	[tilespmem:$0x1E800] =	vst v63  }
0x91: {  	_ =	swait.ge [sflag:s22], $0x4000  }
0x92: {  	[sflag:s22] =	ssyncset.done $0x0  }
0x93: {  	[sflag:s22] =	ssyncadd.s32 $0xFFFFC000  }
0x94: {  	[tilespmem:s16], [sflag:$0x1] =	stream.indirect.gather [hbm4b:s4+s19], $0x80, s23, s19, $0xb8;
	[tilespmem:$0x1E800] =	vst v63  }
0x95: {  	_ =	swait.ge [sflag:s24], $0x4000  }
0x96: {  	[sflag:s24] =	ssyncset.done $0x0  }
0x97: {  	[sflag:s24] =	ssyncadd.s32 $0xFFFFC000  }
0x98: {  	[spmem:s2] =	stream.indirect.scatter.add.f32 [tilespmem:s20], [sflag:$0x4], $0x80, s25, s19, $0xb8;
	[tilespmem:$0x1E800] =	vst v63  }
0x99: {  	_ =	swait.ge [sflag:s26], $0x4000  }
0x9a: {  	[sflag:s26] =	ssyncset.done $0x0  }
0x9b: {  	s0 =	simm.s32 $0x180;
	[sflag:s26] =	ssyncadd.s32 $0xFFFFC000  }
0x9c: {  	[tilespmem:s20], [sflag:$0x2] =	stream.indirect.gather [hbm4b:s4+s19], $0x80, s0, s19, $0xb8;
	[tilespmem:$0x1E800] =	vst v63  }
0x9d: {  	_ =	swait.ge [sflag:s21], $0x4000  }
0x9e: {  	[sflag:s21] =	ssyncset.done $0x0  }
0x9f: {  	s1 =	simm.s32 $0x1500;
	[sflag:s21] =	ssyncadd.s32 $0xFFFFC000  }
0xa0: {  	[spmem:s2] =	stream.indirect.scatter.add.f32 [tilespmem:s16], [sflag:$0x3], $0x80, s1, s19, $0xb8;
	[tilespmem:$0x1E800] =	vst v63  }
0xa1: {  	_ =	swait.ge [sflag:s22], $0x4000  }
0xa2: {  	[sflag:s22] =	ssyncset.done $0x0  }
0xa3: {  	s7 =	simm.s32 $0x200;
	[sflag:s22] =	ssyncadd.s32 $0xFFFFC000  }
0xa4: {  	[tilespmem:s16], [sflag:$0x1] =	stream.indirect.gather [hbm4b:s4+s19], $0x80, s7, s19, $0xb8;
	[tilespmem:$0x1E800] =	vst v63  }
0xa5: {  	_ =	swait.ge [sflag:s24], $0x4000  }
0xa6: {  	[sflag:s24] =	ssyncset.done $0x0  }
0xa7: {  	s0 =	simm.s32 $0xFFFFBC00;
	s1 =	simm.s32 $0x1580;
	[sflag:s24] =	ssyncadd.s32 $0xFFFFC000  }
.LBB2_6:
0xa8: {  	[spmem:s2] =	stream.indirect.scatter.add.f32 [tilespmem:s20], [sflag:$0x4], $0x80, s1, s19, $0xb8;
	[tilespmem:$0x1E800] =	vst v63  }
0xa9: {  	s1 =	smov.u32 s0  }
0xaa: {  	p0 =	sne.s32 s0, $0xFFFFFC00;
	s0 =	sadd.s32 $0x400, s0;
	_ =	swait.ge [sflag:s26], $0x4000  }
0xab: {  	s1 =	sshra.s32 s1, $0x2;
	[sflag:s26] =	ssyncset.done $0x0  }
0xac: {  	s7 =	sadd.s32 $0x1380, s1;
	[sflag:s26] =	ssyncadd.s32 $0xFFFFC000  }
0xad: {  	[tilespmem:s20], [sflag:$0x2] =	stream.indirect.gather [hbm4b:s4+s19], $0x80, s7, s19, $0xb8;
	[tilespmem:$0x1E800] =	vst v63  }
0xae: {  	_ =	swait.ge [sflag:s21], $0x4000  }
0xaf: {  	[sflag:s21] =	ssyncset.done $0x0  }
0xb0: {  	s7 =	sadd.s32 $0x2700, s1;
	[sflag:s21] =	ssyncadd.s32 $0xFFFFC000  }
0xb1: {  	[spmem:s2] =	stream.indirect.scatter.add.f32 [tilespmem:s16], [sflag:$0x3], $0x80, s7, s19, $0xb8;
	[tilespmem:$0x1E800] =	vst v63  }
0xb2: {  	_ =	swait.ge [sflag:s22], $0x4000  }
0xb3: {  	[sflag:s22] =	ssyncset.done $0x0  }
.Ltmp2:
0xb4: {  	s7 =	sadd.s32 $0x1400, s1;
	[sflag:s22] =	ssyncadd.s32 $0xFFFFC000;
	(pc) =	sbr.rel @p0 .LBB2_6-.Ltmp2, $4  }
0xb5: {  	[tilespmem:s16], [sflag:$0x1] =	stream.indirect.gather [hbm4b:s4+s19], $0x80, s7, s19, $0xb8;
	[tilespmem:$0x1E800] =	vst v63  }
0xb6: {  	_ =	swait.ge [sflag:s24], $0x4000  }
0xb7: {  	[sflag:s24] =	ssyncset.done $0x0  }
0xb8: {  	s1 =	sadd.s32 $0x2780, s1;
	[sflag:s24] =	ssyncadd.s32 $0xFFFFC000  }
0xb9: {  	[spmem:s2] =	stream.indirect.scatter.add.f32 [tilespmem:s20], [sflag:$0x4], $0x80, s1, s19, $0xb8;
	[tilespmem:$0x1E800] =	vst v63  }
0xba: {  	_ =	swait.ge [sflag:s26], $0x4000  }
0xbb: {  	[sflag:s26] =	ssyncset.done $0x0  }
0xbc: {  	[sflag:s26] =	ssyncadd.s32 $0xFFFFC000  }
0xbd: {  	[tilespmem:s20], [sflag:$0x2] =	stream.indirect.gather [hbm4b:s4+s19], $0x80, s28, s19, $0xb8;
	[tilespmem:$0x1E800] =	vst v63  }
0xbe: {  	_ =	swait.ge [sflag:s21], $0x4000  }
0xbf: {  	[sflag:s21] =	ssyncset.done $0x0  }
0xc0: {  	[sflag:s21] =	ssyncadd.s32 $0xFFFFC000  }
0xc1: {  	[spmem:s2] =	stream.indirect.scatter.add.f32 [tilespmem:s16], [sflag:$0x3], $0x80, s29, s19, $0xb8;
	[tilespmem:$0x1E800] =	vst v63  }
0xc2: {  	_ =	swait.ge [sflag:s22], $0x4000  }
0xc3: {  	[sflag:s22] =	ssyncset.done $0x0  }
0xc4: {  	[sflag:s22] =	ssyncadd.s32 $0xFFFFC000  }
0xc5: {  	_ =	swait.ge [sflag:s24], $0x4000  }
0xc6: {  	[sflag:s24] =	ssyncset.done $0x0  }
0xc7: {  	[sflag:s24] =	ssyncadd.s32 $0xFFFFC000  }
0xc8: {  	[spmem:s2] =	stream.indirect.scatter.add.f32 [tilespmem:s20], [sflag:$0x4], $0x80, s30, s19, $0xb8;
	[tilespmem:$0x1E800] =	vst v63  }
0xc9: {  	s0 =	stileid.u32;
	_ =	swait.ge [sflag:s26], $0x4000  }
0xca: {  	s7 =	sshrl.u32 s5, $0x3;
	s31 =	sadd.s32 $0x1, s31;
	[sflag:s26] =	ssyncset.done $0x0  }
0xcb: {  	s0 =	sshll.u32 s0, $0x6;
	p0 =	sne.s32 s31, s11;
	[sflag:s26] =	ssyncadd.s32 $0xFFFFC000  }
.Ltmp3:
0xcc: {  	s0 =	sor.u32 $0x1C05, s0;
	[bflag:$0x0] =	sbarrier.arrive $0xFFFF;
	(pc) =	sbr.rel @p0 .LBB2_1-.Ltmp3, $4  }
0xcd: {  	[hbm:s10], [sflag:s0] =	dma.local [spmem:s7], $0x2800  }
0xce: {  	_ =	swait.ge [sflag:s17], $0x2800  }
0xcf: {  	[sflag:s17] =	ssyncset.done $0x0  }
0xd0: {  	[sflag:s17] =	ssyncadd.s32 $0xFFFFD800  }
0xd1: {  	_ =	sfence.sel $0x180000  }
0xd2: {  	[bflag:$0x0] =	sbarrier.arrive $0xFFFF  }
0xd3: {  	_ =	strace $0x9000004A  }
0xd4: {  	s0 =	stileid.u32;
	[bflag:$0x2] =	sbarrier.arrive $0xFFFF  }
0xd5: {  	p0 =	sne.s32 s0, $0x0;
	s0 =	rddreg [dreg:$0x3]  }
0xd6: {  	s0 =	sadd.s32 @!p0 $0x100000, s0  }
0xd7: {  	[sflag:s0] =	ssyncadd.tile.s32 @!p0 $0x1;
	_ =	shalt  }
.Lfunc_end2:
_tile_overlayer_lowered:
.L_overlay_start_2:
0xd8: {  	(tag) =	ssettag $0x2  }
0xd9: {  	s0 =	rddreg [dreg:$0x0];
	s2 =	stileid.u32  }
0xda: {  	s1 =	rddreg [dreg:$0x1];
	p0 =	sne.s32 s2, $0x0  }
0xdb: {  	s3 =	rddreg [dreg:$0x2];
	[bflag:$0x3] =	sbarrier.arrive $0xFFFF;
	s2 =	simm.s32 @!p0 $0x1C05  }
0xdc: {  	[timem:s3], [sflag:s2] =	dma.local @!p0 [hbm:s0], s1  }
0xdd: {  	s0 =	simm.s32 @!p0 $0x5  }
0xde: {  	_ =	swait.ge @!p0 [sflag:s0], s1  }
0xdf: {  	s1 =	ssub.s32 @!p0 $0x0, s1;
	[sflag:s0] =	ssyncset.done @!p0 $0x0  }
0xe0: {  	[sflag:s0] =	ssyncadd.s32 @!p0 s1  }
0xe1: {  	[bflag:$0x3] =	sbarrier.arrive $0xFFFF  }
0xe2: {  	_ =	shalt  }

// kernel: kernel.14.cloned.1.call-start
scs
__scs_entry_jumppad:
0x0: {  	(pc) =	sbr.rel $0x88, $3  }
0x1: {  	(tag) =	ssettag $0x0;
	lr =	simm.s32 $0x1  }
0x2: {  	[smem:$0x3F9D] =	sst lr;
	_ =	strace $0xD0000000  }
0x3: {  	_ = 	snop  }
0x4: {  	_ = 	snop  }
0x5: {  	_ = 	snop  }
0x6: {  	_ = 	snop  }
0x7: {  	_ = 	snop  }
__scs_overlays_trampoline_lowered:
0x8: {  	[smem:$0x3FAC] =	sst s0  }
0x9: {  	[smem:$0x3FAD] =	sst s1  }
0xa: {  	[smem:$0x3FAE] =	sst s2  }
0xb: {  	[smem:$0x3FAF] =	sst s3  }
0xc: {  	[smem:$0x3FB0] =	sst s4  }
0xd: {  	[smem:$0x3FB1] =	sst s5  }
0xe: {  	[smem:$0x3FB2] =	sst s6  }
0xf: {  	[smem:$0x3FB3] =	sst s7  }
0x10: {  	[smem:$0x3FB4] =	sst s8  }
0x11: {  	[smem:$0x3FB5] =	sst s9;
	s0 =	simm.s32 @!p0 $0x0  }
0x12: {  	s1 =	sld [smem:$0x3F9B];
	s0 =	simm.s32 @p0 $0x1  }
0x13: {  	[smem:$0x3FB6] =	sst s0;
	s0 =	simm.s32 @!p1 $0x0  }
0x14: {  	s2 =	sld [smem:$0x3F9A];
	s0 =	simm.s32 @p1 $0x1  }
0x15: {  	[smem:$0x3FB7] =	sst s0;
	s0 =	simm.s32 @!p2 $0x0  }
0x16: {  	s3 =	sld [smem:$0x3FDB];
	s0 =	simm.s32 @p2 $0x1  }
0x17: {  	s4 =	simm.s32 $0x1BF5;
	[smem:$0x3FB9] =	sst s0  }
0x18: {  	s0 =	sld [smem:$0x3F9C];
	_ =	swait.ge [sflag:s4], $0x0  }
0x19: {  	s7 =	sld [smem:$0x3F9D]  }
0x1a: {  	s8 =	sadd.s32 $0xFFFFE003, lr  }
0x1b: {  	s9 =	sadd.s32 $0xFFFFFEF7, lr;
	s5 =	simm.s32 $0xFFFFFFFF;
	p2 =	slt.u32 s8, $0xFFFFF086  }
0x1c: {  	p1 =	slt.u32 s9, $0xF7A;
	s5 =	simm.s32 @!p2 $0x0  }
0x1d: {  	s5 =	simm.s32 @p1 $0x1;
	p0 =	seq.s32 s7, s2  }
0x1e: {  	s7 =	smul.u32 @!p0 $0xF7A, s2;
	p2 =	seq.s32 @!p0 s5, $0x0  }
0x1f: {  	s9 =	smul.u32 $0xF7A, s1;
	s8 =	simm.s32 @!p0 $0x1BF5;
	p2 =	por !p2, p0  }
0x20: {  	[sflag:s8] =	ssyncset.s32 @!p0 $0xFFFFF086;
	s6 =	sadd.s32 @!p0 s3, s7;
	s7 =	simm.s32 @!p0 $0x108  }
0x21: {  	s3 =	sadd.s32 s3, s9;
	s6 =	sadd.s32 @!p0 $0x88, s6;
	s7 =	simm.s32 @p2 $0x1082  }
0x22: {  	[simem:s7], [sflag:s8] =	dma.local @!p0 [hbm:s6], $0xF7A  }
0x23: {  	s9 =	sor.u32 $0xD0000000, s2;
	s6 =	simm.s32 $0x108;
	_ =	swait.ge @!p0 [sflag:s8], $0x0  }
0x24: {  	s3 =	sadd.s32 $0x88, s3;
	s6 =	simm.s32 @!p1 $0x1082;
	[sflag:s4] =	ssyncset.s32 $0xFFFFF086  }
0x25: {  	[simem:s6], [sflag:s4] =	dma.local [hbm:s3], $0xF7A  }
0x26: {  	[smem:$0x3F9D] =	sst s1;
	(tag) =	ssettag s2;
	_ =	strace s9  }
0x27: {  	s1 =	sld [smem:$0x3FAD]  }
0x28: {  	s2 =	sld [smem:$0x3FAE]  }
0x29: {  	s4 =	sld [smem:$0x3FB0]  }
0x2a: {  	p0 =	seq.s32 s5, $0x0;
	s5 =	sld [smem:$0x3FB1]  }
0x2b: {  	s6 =	sld [smem:$0x3FB2]  }
0x2c: {  	s7 =	sld [smem:$0x3FB3]  }
0x2d: {  	s3 =	simm.s32 $0x108;
	s8 =	sld [smem:$0x3FB4]  }
0x2e: {  	s3 =	simm.s32 @!p0 $0x1082;
	s9 =	sld [smem:$0x3FB5]  }
0x2f: {  	lr =	sadd.s32 s0, s3;
	s0 =	sld [smem:$0x3FAC]  }
0x30: {  	s3 =	sld [smem:$0x3FAF]  }
0x31: {  	[smem:$0x3FB8] =	sst s10  }
0x32: {  	s10 =	sld [smem:$0x3FB6];
	_ =	sdelay $0x3  }
0x33: {  	p0 =	seq.s32 s10, $0x1;
	s10 =	sld [smem:$0x3FB8];
	_ =	sdelay $0x3  }
0x34: {  	[smem:$0x3FB8] =	sst s10  }
0x35: {  	s10 =	sld [smem:$0x3FB7];
	_ =	sdelay $0x3  }
0x36: {  	p1 =	seq.s32 s10, $0x1;
	s10 =	sld [smem:$0x3FB8];
	_ =	sdelay $0x3  }
0x37: {  	[smem:$0x3FB8] =	sst s10  }
0x38: {  	s10 =	sld [smem:$0x3FB9]  }
0x39: {  	_ = 	snop;
	(pc) =	sbr.ind lr, $3  }
0x3a: {  	_ = 	snop  }
0x3b: {  	_ = 	snop  }
0x3c: {  	p2 =	seq.s32 s10, $0x1;
	s10 =	sld [smem:$0x3FB8]  }
0x3d: {  	_ =	shalt  }
0x3e: {  	_ =	shalt  }
0x3f: {  	_ =	shalt  }
0x40: {  	_ =	shalt  }
0x41: {  	_ =	shalt  }
0x42: {  	_ =	shalt  }
0x43: {  	_ =	shalt  }
0x44: {  	_ =	shalt  }
0x45: {  	_ =	shalt  }
0x46: {  	_ =	shalt  }
0x47: {  	_ =	shalt  }
0x48: {  	_ =	shalt  }
0x49: {  	_ =	shalt  }
0x4a: {  	_ =	shalt  }
0x4b: {  	_ =	shalt  }
0x4c: {  	_ =	shalt  }
0x4d: {  	_ =	shalt  }
0x4e: {  	_ =	shalt  }
0x4f: {  	_ =	shalt  }
0x50: {  	_ =	shalt  }
0x51: {  	_ =	shalt  }
0x52: {  	_ =	shalt  }
0x53: {  	_ =	shalt  }
0x54: {  	_ =	shalt  }
0x55: {  	_ =	shalt  }
0x56: {  	_ =	shalt  }
0x57: {  	_ =	shalt  }
0x58: {  	_ =	shalt  }
0x59: {  	_ =	shalt  }
0x5a: {  	_ =	shalt  }
0x5b: {  	_ =	shalt  }
0x5c: {  	_ =	shalt  }
0x5d: {  	_ =	shalt  }
0x5e: {  	_ =	shalt  }
0x5f: {  	_ =	shalt  }
0x60: {  	_ =	shalt  }
0x61: {  	_ =	shalt  }
0x62: {  	_ =	shalt  }
0x63: {  	_ =	shalt  }
0x64: {  	_ =	shalt  }
0x65: {  	_ =	shalt  }
0x66: {  	_ =	shalt  }
0x67: {  	_ =	shalt  }
0x68: {  	_ =	shalt  }
0x69: {  	_ =	shalt  }
0x6a: {  	_ =	shalt  }
0x6b: {  	_ =	shalt  }
0x6c: {  	_ =	shalt  }
0x6d: {  	_ =	shalt  }
0x6e: {  	_ =	shalt  }
0x6f: {  	_ =	shalt  }
0x70: {  	_ =	shalt  }
0x71: {  	_ =	shalt  }
0x72: {  	_ =	shalt  }
0x73: {  	_ =	shalt  }
0x74: {  	_ =	shalt  }
0x75: {  	_ =	shalt  }
0x76: {  	_ =	shalt  }
0x77: {  	_ =	shalt  }
0x78: {  	_ =	shalt  }
0x79: {  	_ =	shalt  }
0x7a: {  	_ =	shalt  }
0x7b: {  	_ =	shalt  }
0x7c: {  	_ =	shalt  }
0x7d: {  	_ =	shalt  }
0x7e: {  	_ =	shalt  }
0x7f: {  	_ =	shalt  }
0x80: {  	_ =	shalt  }
0x81: {  	_ =	shalt  }
0x82: {  	_ =	shalt  }
0x83: {  	_ =	shalt  }
0x84: {  	_ =	shalt  }
0x85: {  	_ =	shalt  }
0x86: {  	_ =	shalt  }
0x87: {  	_ =	shalt  }
.Lfunc_end0:
.L_simem_size_0:
called_computation.2_lowered:
.L_overlay_start_0:
0x88: {  	s2 =	sld [smem:$0x3FD9]  }
0x89: {  	s3 =	sld [smem:$0x3FFE];
	_ =	sdelay $0x1  }
0x8a: {  	s1 =	srdreg.scid  }
0x8b: {  	s0 =	sand.u32 $0x1, s1  }
0x8c: {  	s17 =	sshll.u32 s0, $0xA;
	s2 =	sadd.s32 s3, s2  }
0x8d: {  	s2 =	sadd.s32 s2, s17  }
0x8e: {  	[smem:$0x3FC4] =	sst s2  }
0x8f: {  	_ = 	snop  }
0x90: {  	s2 =	sld [smem:$0x3FD0];
	(tm) =	ssettm $0x1  }
0x91: {  	s18 =	sld [smem:$0x3FFB];
	_ =	sdelay $0x3  }
0x92: {  	_ =	strace s18  }
0x93: {  	s3 =	sld [smem:$0x3FFC];
	_ =	sdelay $0x3  }
0x94: {  	_ =	strace s3  }
0x95: {  	s3 =	sld [smem:$0x3FFD];
	_ =	sdelay $0x3  }
0x96: {  	_ =	strace s3  }
0x97: {  	_ =	strace $0x8FFFFFFF  }
0x98: {  	s19 =	sld [smem:$0x3FDB];
	_ =	sdelay $0x1  }
0x99: {  	s4 =	simm.s32 $_scs_section_size  }
0x9a: {  	s5 =	simm.s32 $_size__tile_overlayer_lowered;
	s6 =	simm.s32 $_tile_overlayer_lowered  }
0x9b: {  	s22 =	simm.s32 $0x1BFF;
	s21 =	sshll.u32 s6, $0x1;
	s3 =	sadd.s32 s4, s19  }
0x9c: {  	s7 =	simm.s32 $0x0;
	s20 =	sshll.u32 s5, $0x1;
	s5 =	sadd.s32 s21, s3  }
0x9d: {  	[timem:s7], [sflag:s22] =	dma.local [hbm:s5], s20  }
0x9e: {  	_ =	swait.ge [sflag:s22], s20  }
0x9f: {  	s4 =	ssub.s32 $0x0, s20;
	[sflag:s22] =	ssyncset.done $0x0  }
0xa0: {  	[sflag:s22] =	ssyncadd.s32 s4;
	_ =	sdelay $0x1  }
0xa1: {  	s23 =	simm.s32 $0x1B8B  }
0xa2: {  	_ =	swait.ge [sflag:s23], $0x1  }
0xa3: {  	[sflag:s23] =	ssyncset.done $0x0  }
0xa4: {  	s25 =	simm.s32 $0x1B8E;
	s24 =	sld [smem:$0x3FFE];
	[sflag:s23] =	ssyncadd.s32 $0xFFFFFFFF  }
0xa5: {  	s26 =	simm.s32 $execute0_lowered;
	[smem:$0x3FD2] =	sst s25  }
0xa6: {  	s5 =	sshll.u32 s26, $0x1;
	_ =	strace $0x8000004C;
	[dreg:$0x1] =	wrdreg $0xFFFFFFFF  }
0xa7: {  	s28 =	simm.s32 $_size_execute0_lowered;
	s3 =	sadd.s32 s3, s5;
	[dreg:$0x0] =	wrdreg $0x0  }
0xa8: {  	s5 =	sshll.u32 s28, $0x1;
	[dreg:$0x2] =	wrdreg s3  }
0xa9: {  	[dreg:$0x3] =	wrdreg s5  }
0xaa: {  	[dreg:$0x4] =	wrdreg $0xC0  }
0xab: {  	_ =	task [dreg:s7], $0x5FFFF  }
0xac: {  	[dreg:$0x1] =	wrdreg $0xFFFFFFFF  }
0xad: {  	[dreg:$0x0] =	wrdreg $0x60  }
0xae: {  	[dreg:$0x2] =	wrdreg s24  }
0xaf: {  	[dreg:$0x3] =	wrdreg s2  }
0xb0: {  	[dreg:$0x4] =	wrdreg $0xA8000  }
0xb1: {  	[dreg:$0x5] =	wrdreg $0x9  }
0xb2: {  	_ =	task.clear_ibuf [dreg:s7], $0x6FFFF;
	_ =	strace $0x9000004C  }
0xb3: {  	s29 =	simm.s32 $0x9;
	_ =	strace $0x8000004E  }
0xb4: {  	_ =	swait.ge [sflag:s29], $0x1  }
0xb5: {  	[sflag:s29] =	ssyncadd.s32 $0xFFFFFFFF  }
0xb6: {  	_ =	strace $0x9000004E  }
0xb7: {  	_ =	sfence  }
0xb8: {  	s30 =	sld [smem:$0x0];
	_ =	sdelay $0x2  }
0xb9: {  	s31 =	sshll.u32 s1, $0xD;
	s1 =	sshrl.u32 s1, $0x2  }
0xba: {  	s3 =	sand.u32 $0x4000, s31;
	s1 =	sadd.s32 s1, s30  }
0xbb: {  	s0 =	sor.u32 s3, s0;
	s1 =	sshll.u32 s1, $0x11  }
0xbc: {  	s0 =	sor.u32 s1, s0  }
0xbd: {  	s0 =	sadd.s32 $0x8F2B, s0  }
0xbe: {  	[sflag:s0] =	ssyncadd.remote.s32 $0x1  }
0xbf: {  	_ =	sfence.sel $0xFFFF  }
0xc0: {  	[dreg:$0x0] =	wrdreg $0xFFFFFFFF;
	(pc) =	sbr.abs _section_cstart, $3  }
0xc1: {  	[dreg:$0x1] =	wrdreg $0xFFFFFFFF  }
0xc2: {  	_ =	task.clear_ibuf [dreg:s7], $0x2FFFF;
	_ =	strace $0x9FFFFFFF  }
0xc3: {  	(tm) =	ssettm $0x7FFFFFFF  }
tec
execute0_lowered:
.L_overlay_start_1:
0x0: {  	(tag) =	ssettag $0x1  }
0x1: {  	s0 =	rddreg [dreg:$0x0]  }
0x2: {  	s1 =	rddreg [dreg:$0x1];
	s3 =	srdreg.scid  }
0x3: {  	s2 =	rddreg [dreg:$0x2];
	s8 =	stileid.u32;
	s16 =	simm.s32 $0x2800  }
0x4: {  	s17 =	simm.s32 $0x5;
	s18 =	simm.s32 $0x1400;
	s19 =	simm.s32 $0x80  }
0x5: {  	s20 =	simm.s32 $0x6800;
	s21 =	simm.s32 $0x1;
	s22 =	simm.s32 $0x3  }
0x6: {  	s28 =	simm.s32 $0x1380;
	s29 =	simm.s32 $0x2700;
	s6 =	smul.u32 $0x14000, s8  }
0x7: {  	s30 =	simm.s32 $0x2780;
	s5 =	sand.u32 $0x1, s3;
	s24 =	smul.u32 $0x50000, s8  }
0x8: {  	s3 =	simm.s32 $0x0;
	s7 =	sshll.u32 s8, $0x1;
	s4 =	smul.u32 $0x140000, s5  }
0x9: {  	[smem:$0x7FF] =	sst s3;
	s23 =	sor.u32 s5, s7;
	s5 =	ssub.s32 $0x2, s5  }
0xa: {  	s31 =	simm.s32 $0x0;
	_ =	strace $0x8000004D;
	s26 =	sshrl.u32 s5, $0x1  }
0xb: {  	s7 =	sshrl.u32 s24, $0x2;
	s24 =	simm.s32 $0x2;
	s4 =	sadd.s32 s6, s4  }
0xc: {  	s6 =	smul.u32 $0x2800, s23;
	s11 =	ssub.s32 s5, s26;
	s5 =	sadd.s32 s7, s2  }
0xd: {  	s23 =	simm.s32 $0x100;
	s26 =	simm.s32 $0x4;
	s25 =	sshrl.u32 s4, $0x3  }
0xe: {  	s4 =	sadd.s32 $0x2200, s0;
	s11 =	smax.u32 s11, $0x1;
	s12 =	sadd.s32 $0x4000, s5  }
0xf: {  	s13 =	sadd.s32 $0x8000, s5;
	s14 =	sadd.s32 $0xC000, s5;
	s6 =	sshrl.u32 s6, $0x3  }
0x10: {  	s15 =	sadd.s32 $0x10000, s5;
	s0 =	sadd.s32 s25, s0;
	s6 =	sadd.s32 s1, s6  }
0x11: {  	s25 =	simm.s32 $0x1480;
	s10 =	sadd.s32 $0x2A200, s0;
	s1 =	sadd.s32 $0xA000, s6  }
0x12: {  	v0 =	vimm.f32 $0.0e+00;
	s8 =	sadd.s32 $0x280, s6;
	s9 =	sadd.s32 $0xA280, s6;
	[dreg:$0x4] =	wrdreg s1  }
.LBB2_1:
0x13: {  	s0 =	simm.s32 $0x0;
	s1 =	simm.s32 $0x200  }
.LBB2_2:
0x14: {  	p0 =	sne.s32 s1, $0xFE00;
	[tilespmem:s0+$0x2870] =	vst v0  }
0x15: {  	[tilespmem:s0+$0x2800] =	vst v0  }
0x16: {  	[tilespmem:s0+$0x2810] =	vst v0  }
.Ltmp0:
0x17: {  	[tilespmem:s0+$0x2820] =	vst v0;
	(pc) =	sbr.rel @p0 .LBB2_2-.Ltmp0, $4  }
0x18: {  	[tilespmem:s0+$0x2830] =	vst v0  }
0x19: {  	[tilespmem:s0+$0x2840] =	vst v0  }
0x1a: {  	[tilespmem:s0+$0x2850] =	vst v0  }
0x1b: {  	[tilespmem:s0+$0x2860] =	vst v0;
	s0 =	sshra.s32 s1, $0x2;
	s1 =	sadd.s32 $0x200, s1  }
0x1c: {  	[tilespmem:s0+$0x2870] =	vst v0  }
0x1d: {  	[tilespmem:s0+$0x2800] =	vst v0  }
0x1e: {  	[tilespmem:s0+$0x2810] =	vst v0  }
0x1f: {  	[tilespmem:s0+$0x2820] =	vst v0  }
0x20: {  	[tilespmem:s0+$0x2830] =	vst v0  }
0x21: {  	[tilespmem:s0+$0x2840] =	vst v0  }
0x22: {  	[tilespmem:s0+$0x2850] =	vst v0  }
0x23: {  	[tilespmem:s0+$0x2860] =	vst v0  }
0x24: {  	[spmem:s5] =	stream.linear.scatter [tilespmem:s16], [sflag:$0x5], $0x4000, $0x38;
	[tilespmem:$0x1E800] =	vst v63  }
0x25: {  	_ =	swait.ge [sflag:s17], $0x4000  }
0x26: {  	[sflag:s17] =	ssyncset.done $0x0  }
0x27: {  	[sflag:s17] =	ssyncadd.s32 $0xFFFFC000  }
0x28: {  	[spmem:s12] =	stream.linear.scatter [tilespmem:s16], [sflag:$0x5], $0x4000, $0x38;
	[tilespmem:$0x1E800] =	vst v63  }
0x29: {  	_ =	swait.ge [sflag:s17], $0x4000  }
0x2a: {  	[sflag:s17] =	ssyncset.done $0x0  }
0x2b: {  	[sflag:s17] =	ssyncadd.s32 $0xFFFFC000  }
0x2c: {  	[spmem:s13] =	stream.linear.scatter [tilespmem:s16], [sflag:$0x5], $0x4000, $0x38;
	[tilespmem:$0x1E800] =	vst v63  }
0x2d: {  	_ =	swait.ge [sflag:s17], $0x4000  }
0x2e: {  	[sflag:s17] =	ssyncset.done $0x0  }
0x2f: {  	[sflag:s17] =	ssyncadd.s32 $0xFFFFC000  }
0x30: {  	[spmem:s14] =	stream.linear.scatter [tilespmem:s16], [sflag:$0x5], $0x4000, $0x38;
	[tilespmem:$0x1E800] =	vst v63  }
0x31: {  	_ =	swait.ge [sflag:s17], $0x4000  }
0x32: {  	[sflag:s17] =	ssyncset.done $0x0  }
0x33: {  	[sflag:s17] =	ssyncadd.s32 $0xFFFFC000  }
0x34: {  	[spmem:s15] =	stream.linear.scatter [tilespmem:s16], [sflag:$0x5], $0x4000, $0x38;
	[tilespmem:$0x1E800] =	vst v63  }
0x35: {  	_ =	swait.ge [sflag:s17], $0x4000  }
0x36: {  	[sflag:s17] =	ssyncset.done $0x0  }
0x37: {  	[sflag:s17] =	ssyncadd.s32 $0xFFFFC000  }
0x38: {  	[tilespmem:s3], [sflag:$0x5] =	stream.linear.gather [hbm4b:s6+s3], $0x1400, $0x38;
	[tilespmem:$0x1E800] =	vst v63  }
0x39: {  	_ =	swait.ge [sflag:s17], $0x1400  }
0x3a: {  	[sflag:s17] =	ssyncset.done $0x0  }
0x3b: {  	s1 =	rddreg [dreg:$0x4];
	[sflag:s17] =	ssyncadd.s32 $0xFFFFEC00  }
0x3c: {  	[tilespmem:s18], [sflag:$0x5] =	stream.linear.gather [hbm4b:s1+s3], $0x1400, $0x38;
	[tilespmem:$0x1E800] =	vst v63  }
0x3d: {  	_ =	swait.ge [sflag:s17], $0x1400  }
0x3e: {  	[sflag:s17] =	ssyncset.done $0x0  }
0x3f: {  	[sflag:s17] =	ssyncadd.s32 $0xFFFFEC00  }
0x40: {  	[tilespmem:s16], [sflag:$0x1] =	stream.indirect.gather [hbm4b:s4+s19], $0x80, s3, s19, $0xb8;
	[tilespmem:$0x1E800] =	vst v63  }
0x41: {  	[bflag:$0x0] =	sbarrier.arrive $0xFFFF  }
0x42: {  	[tilespmem:s20], [sflag:$0x2] =	stream.indirect.gather [hbm4b:s4+s19], $0x80, s19, s19, $0xb8;
	[tilespmem:$0x1E800] =	vst v63  }
0x43: {  	_ =	swait.ge [sflag:s21], $0x4000  }
0x44: {  	[sflag:s21] =	ssyncset.done $0x0  }
0x45: {  	[sflag:s21] =	ssyncadd.s32 $0xFFFFC000  }
0x46: {  	[spmem:s2] =	stream.indirect.scatter.add.f32 [tilespmem:s16], [sflag:$0x3], $0x80, s18, s19, $0xb8;
	[tilespmem:$0x1E800] =	vst v63  }
0x47: {  	_ =	swait.ge [sflag:s22], $0x4000  }
0x48: {  	[sflag:s22] =	ssyncset.done $0x0  }
0x49: {  	[sflag:s22] =	ssyncadd.s32 $0xFFFFC000  }
0x4a: {  	[tilespmem:s16], [sflag:$0x1] =	stream.indirect.gather [hbm4b:s4+s19], $0x80, s23, s19, $0xb8;
	[tilespmem:$0x1E800] =	vst v63  }
0x4b: {  	_ =	swait.ge [sflag:s24], $0x4000  }
0x4c: {  	[sflag:s24] =	ssyncset.done $0x0  }
0x4d: {  	[sflag:s24] =	ssyncadd.s32 $0xFFFFC000  }
0x4e: {  	[spmem:s2] =	stream.indirect.scatter.add.f32 [tilespmem:s20], [sflag:$0x4], $0x80, s25, s19, $0xb8;
	[tilespmem:$0x1E800] =	vst v63  }
0x4f: {  	_ =	swait.ge [sflag:s26], $0x4000  }
0x50: {  	[sflag:s26] =	ssyncset.done $0x0  }
0x51: {  	s7 =	simm.s32 $0x180;
	[sflag:s26] =	ssyncadd.s32 $0xFFFFC000  }
0x52: {  	[tilespmem:s20], [sflag:$0x2] =	stream.indirect.gather [hbm4b:s4+s19], $0x80, s7, s19, $0xb8;
	[tilespmem:$0x1E800] =	vst v63  }
0x53: {  	_ =	swait.ge [sflag:s21], $0x4000  }
0x54: {  	[sflag:s21] =	ssyncset.done $0x0  }
0x55: {  	s1 =	simm.s32 $0x1500;
	[sflag:s21] =	ssyncadd.s32 $0xFFFFC000  }
0x56: {  	[spmem:s2] =	stream.indirect.scatter.add.f32 [tilespmem:s16], [sflag:$0x3], $0x80, s1, s19, $0xb8;
	[tilespmem:$0x1E800] =	vst v63  }
0x57: {  	_ =	swait.ge [sflag:s22], $0x4000  }
0x58: {  	[sflag:s22] =	ssyncset.done $0x0  }
0x59: {  	s7 =	simm.s32 $0x200;
	[sflag:s22] =	ssyncadd.s32 $0xFFFFC000  }
0x5a: {  	[tilespmem:s16], [sflag:$0x1] =	stream.indirect.gather [hbm4b:s4+s19], $0x80, s7, s19, $0xb8;
	[tilespmem:$0x1E800] =	vst v63  }
0x5b: {  	_ =	swait.ge [sflag:s24], $0x4000  }
0x5c: {  	[sflag:s24] =	ssyncset.done $0x0  }
0x5d: {  	s0 =	simm.s32 $0xFFFFBC00;
	s1 =	simm.s32 $0x1580;
	[sflag:s24] =	ssyncadd.s32 $0xFFFFC000  }
.LBB2_4:
0x5e: {  	[spmem:s2] =	stream.indirect.scatter.add.f32 [tilespmem:s20], [sflag:$0x4], $0x80, s1, s19, $0xb8;
	[tilespmem:$0x1E800] =	vst v63  }
0x5f: {  	s1 =	smov.u32 s0  }
0x60: {  	p0 =	sne.s32 s0, $0xFFFFFC00;
	s0 =	sadd.s32 $0x400, s0;
	_ =	swait.ge [sflag:s26], $0x4000  }
0x61: {  	s1 =	sshra.s32 s1, $0x2;
	[sflag:s26] =	ssyncset.done $0x0  }
0x62: {  	s7 =	sadd.s32 $0x1380, s1;
	[sflag:s26] =	ssyncadd.s32 $0xFFFFC000  }
0x63: {  	[tilespmem:s20], [sflag:$0x2] =	stream.indirect.gather [hbm4b:s4+s19], $0x80, s7, s19, $0xb8;
	[tilespmem:$0x1E800] =	vst v63  }
0x64: {  	_ =	swait.ge [sflag:s21], $0x4000  }
0x65: {  	[sflag:s21] =	ssyncset.done $0x0  }
0x66: {  	s7 =	sadd.s32 $0x2700, s1;
	[sflag:s21] =	ssyncadd.s32 $0xFFFFC000  }
0x67: {  	[spmem:s2] =	stream.indirect.scatter.add.f32 [tilespmem:s16], [sflag:$0x3], $0x80, s7, s19, $0xb8;
	[tilespmem:$0x1E800] =	vst v63  }
0x68: {  	_ =	swait.ge [sflag:s22], $0x4000  }
0x69: {  	[sflag:s22] =	ssyncset.done $0x0  }
.Ltmp1:
0x6a: {  	s7 =	sadd.s32 $0x1400, s1;
	[sflag:s22] =	ssyncadd.s32 $0xFFFFC000;
	(pc) =	sbr.rel @p0 .LBB2_4-.Ltmp1, $4  }
0x6b: {  	[tilespmem:s16], [sflag:$0x1] =	stream.indirect.gather [hbm4b:s4+s19], $0x80, s7, s19, $0xb8;
	[tilespmem:$0x1E800] =	vst v63  }
0x6c: {  	_ =	swait.ge [sflag:s24], $0x4000  }
0x6d: {  	[sflag:s24] =	ssyncset.done $0x0  }
0x6e: {  	s1 =	sadd.s32 $0x2780, s1;
	[sflag:s24] =	ssyncadd.s32 $0xFFFFC000  }
0x6f: {  	[spmem:s2] =	stream.indirect.scatter.add.f32 [tilespmem:s20], [sflag:$0x4], $0x80, s1, s19, $0xb8;
	[tilespmem:$0x1E800] =	vst v63  }
0x70: {  	_ =	swait.ge [sflag:s26], $0x4000  }
0x71: {  	[sflag:s26] =	ssyncset.done $0x0  }
0x72: {  	[sflag:s26] =	ssyncadd.s32 $0xFFFFC000  }
0x73: {  	[tilespmem:s20], [sflag:$0x2] =	stream.indirect.gather [hbm4b:s4+s19], $0x80, s28, s19, $0xb8;
	[tilespmem:$0x1E800] =	vst v63  }
0x74: {  	_ =	swait.ge [sflag:s21], $0x4000  }
0x75: {  	[sflag:s21] =	ssyncset.done $0x0  }
0x76: {  	[sflag:s21] =	ssyncadd.s32 $0xFFFFC000  }
0x77: {  	[spmem:s2] =	stream.indirect.scatter.add.f32 [tilespmem:s16], [sflag:$0x3], $0x80, s29, s19, $0xb8;
	[tilespmem:$0x1E800] =	vst v63  }
0x78: {  	_ =	swait.ge [sflag:s22], $0x4000  }
0x79: {  	[sflag:s22] =	ssyncset.done $0x0  }
0x7a: {  	[sflag:s22] =	ssyncadd.s32 $0xFFFFC000  }
0x7b: {  	_ =	swait.ge [sflag:s24], $0x4000  }
0x7c: {  	[sflag:s24] =	ssyncset.done $0x0  }
0x7d: {  	[sflag:s24] =	ssyncadd.s32 $0xFFFFC000  }
0x7e: {  	[spmem:s2] =	stream.indirect.scatter.add.f32 [tilespmem:s20], [sflag:$0x4], $0x80, s30, s19, $0xb8;
	[tilespmem:$0x1E800] =	vst v63  }
0x7f: {  	_ =	swait.ge [sflag:s26], $0x4000  }
0x80: {  	[sflag:s26] =	ssyncset.done $0x0  }
0x81: {  	[sflag:s26] =	ssyncadd.s32 $0xFFFFC000  }
0x82: {  	[tilespmem:s3], [sflag:$0x5] =	stream.linear.gather [hbm4b:s8+s3], $0x1400, $0x38;
	[tilespmem:$0x1E800] =	vst v63  }
0x83: {  	_ =	swait.ge [sflag:s17], $0x1400  }
0x84: {  	[sflag:s17] =	ssyncset.done $0x0  }
0x85: {  	[sflag:s17] =	ssyncadd.s32 $0xFFFFEC00  }
0x86: {  	[tilespmem:s18], [sflag:$0x5] =	stream.linear.gather [hbm4b:s9+s3], $0x1400, $0x38;
	[tilespmem:$0x1E800] =	vst v63  }
0x87: {  	_ =	swait.ge [sflag:s17], $0x1400  }
0x88: {  	[sflag:s17] =	ssyncset.done $0x0  }
0x89: {  	[sflag:s17] =	ssyncadd.s32 $0xFFFFEC00  }
0x8a: {  	[tilespmem:s16], [sflag:$0x1] =	stream.indirect.gather [hbm4b:s4+s19], $0x80, s3, s19, $0xb8;
	[tilespmem:$0x1E800] =	vst v63  }
0x8b: {  	_ = 	snop  }
0x8c: {  	[tilespmem:s20], [sflag:$0x2] =	stream.indirect.gather [hbm4b:s4+s19], $0x80, s19, s19, $0xb8;
	[tilespmem:$0x1E800] =	vst v63  }
0x8d: {  	_ =	swait.ge [sflag:s21], $0x4000  }
0x8e: {  	[sflag:s21] =	ssyncset.done $0x0  }
0x8f: {  	[sflag:s21] =	ssyncadd.s32 $0xFFFFC000  }
0x90: {  	[spmem:s2] =	stream.indirect.scatter.add.f32 [tilespmem:s16], [sflag:$0x3], $0x80, s18, s19, $0xb8;
	[tilespmem:$0x1E800] =	vst v63  }
0x91: {  	_ =	swait.ge [sflag:s22], $0x4000  }
0x92: {  	[sflag:s22] =	ssyncset.done $0x0  }
0x93: {  	[sflag:s22] =	ssyncadd.s32 $0xFFFFC000  }
0x94: {  	[tilespmem:s16], [sflag:$0x1] =	stream.indirect.gather [hbm4b:s4+s19], $0x80, s23, s19, $0xb8;
	[tilespmem:$0x1E800] =	vst v63  }
0x95: {  	_ =	swait.ge [sflag:s24], $0x4000  }
0x96: {  	[sflag:s24] =	ssyncset.done $0x0  }
0x97: {  	[sflag:s24] =	ssyncadd.s32 $0xFFFFC000  }
0x98: {  	[spmem:s2] =	stream.indirect.scatter.add.f32 [tilespmem:s20], [sflag:$0x4], $0x80, s25, s19, $0xb8;
	[tilespmem:$0x1E800] =	vst v63  }
0x99: {  	_ =	swait.ge [sflag:s26], $0x4000  }
0x9a: {  	[sflag:s26] =	ssyncset.done $0x0  }
0x9b: {  	s0 =	simm.s32 $0x180;
	[sflag:s26] =	ssyncadd.s32 $0xFFFFC000  }
0x9c: {  	[tilespmem:s20], [sflag:$0x2] =	stream.indirect.gather [hbm4b:s4+s19], $0x80, s0, s19, $0xb8;
	[tilespmem:$0x1E800] =	vst v63  }
0x9d: {  	_ =	swait.ge [sflag:s21], $0x4000  }
0x9e: {  	[sflag:s21] =	ssyncset.done $0x0  }
0x9f: {  	s1 =	simm.s32 $0x1500;
	[sflag:s21] =	ssyncadd.s32 $0xFFFFC000  }
0xa0: {  	[spmem:s2] =	stream.indirect.scatter.add.f32 [tilespmem:s16], [sflag:$0x3], $0x80, s1, s19, $0xb8;
	[tilespmem:$0x1E800] =	vst v63  }
0xa1: {  	_ =	swait.ge [sflag:s22], $0x4000  }
0xa2: {  	[sflag:s22] =	ssyncset.done $0x0  }
0xa3: {  	s7 =	simm.s32 $0x200;
	[sflag:s22] =	ssyncadd.s32 $0xFFFFC000  }
0xa4: {  	[tilespmem:s16], [sflag:$0x1] =	stream.indirect.gather [hbm4b:s4+s19], $0x80, s7, s19, $0xb8;
	[tilespmem:$0x1E800] =	vst v63  }
0xa5: {  	_ =	swait.ge [sflag:s24], $0x4000  }
0xa6: {  	[sflag:s24] =	ssyncset.done $0x0  }
0xa7: {  	s0 =	simm.s32 $0xFFFFBC00;
	s1 =	simm.s32 $0x1580;
	[sflag:s24] =	ssyncadd.s32 $0xFFFFC000  }
.LBB2_6:
0xa8: {  	[spmem:s2] =	stream.indirect.scatter.add.f32 [tilespmem:s20], [sflag:$0x4], $0x80, s1, s19, $0xb8;
	[tilespmem:$0x1E800] =	vst v63  }
0xa9: {  	s1 =	smov.u32 s0  }
0xaa: {  	p0 =	sne.s32 s0, $0xFFFFFC00;
	s0 =	sadd.s32 $0x400, s0;
	_ =	swait.ge [sflag:s26], $0x4000  }
0xab: {  	s1 =	sshra.s32 s1, $0x2;
	[sflag:s26] =	ssyncset.done $0x0  }
0xac: {  	s7 =	sadd.s32 $0x1380, s1;
	[sflag:s26] =	ssyncadd.s32 $0xFFFFC000  }
0xad: {  	[tilespmem:s20], [sflag:$0x2] =	stream.indirect.gather [hbm4b:s4+s19], $0x80, s7, s19, $0xb8;
	[tilespmem:$0x1E800] =	vst v63  }
0xae: {  	_ =	swait.ge [sflag:s21], $0x4000  }
0xaf: {  	[sflag:s21] =	ssyncset.done $0x0  }
0xb0: {  	s7 =	sadd.s32 $0x2700, s1;
	[sflag:s21] =	ssyncadd.s32 $0xFFFFC000  }
0xb1: {  	[spmem:s2] =	stream.indirect.scatter.add.f32 [tilespmem:s16], [sflag:$0x3], $0x80, s7, s19, $0xb8;
	[tilespmem:$0x1E800] =	vst v63  }
0xb2: {  	_ =	swait.ge [sflag:s22], $0x4000  }
0xb3: {  	[sflag:s22] =	ssyncset.done $0x0  }
.Ltmp2:
0xb4: {  	s7 =	sadd.s32 $0x1400, s1;
	[sflag:s22] =	ssyncadd.s32 $0xFFFFC000;
	(pc) =	sbr.rel @p0 .LBB2_6-.Ltmp2, $4  }
0xb5: {  	[tilespmem:s16], [sflag:$0x1] =	stream.indirect.gather [hbm4b:s4+s19], $0x80, s7, s19, $0xb8;
	[tilespmem:$0x1E800] =	vst v63  }
0xb6: {  	_ =	swait.ge [sflag:s24], $0x4000  }
0xb7: {  	[sflag:s24] =	ssyncset.done $0x0  }
0xb8: {  	s1 =	sadd.s32 $0x2780, s1;
	[sflag:s24] =	ssyncadd.s32 $0xFFFFC000  }
0xb9: {  	[spmem:s2] =	stream.indirect.scatter.add.f32 [tilespmem:s20], [sflag:$0x4], $0x80, s1, s19, $0xb8;
	[tilespmem:$0x1E800] =	vst v63  }
0xba: {  	_ =	swait.ge [sflag:s26], $0x4000  }
0xbb: {  	[sflag:s26] =	ssyncset.done $0x0  }
0xbc: {  	[sflag:s26] =	ssyncadd.s32 $0xFFFFC000  }
0xbd: {  	[tilespmem:s20], [sflag:$0x2] =	stream.indirect.gather [hbm4b:s4+s19], $0x80, s28, s19, $0xb8;
	[tilespmem:$0x1E800] =	vst v63  }
0xbe: {  	_ =	swait.ge [sflag:s21], $0x4000  }
0xbf: {  	[sflag:s21] =	ssyncset.done $0x0  }
0xc0: {  	[sflag:s21] =	ssyncadd.s32 $0xFFFFC000  }
0xc1: {  	[spmem:s2] =	stream.indirect.scatter.add.f32 [tilespmem:s16], [sflag:$0x3], $0x80, s29, s19, $0xb8;
	[tilespmem:$0x1E800] =	vst v63  }
0xc2: {  	_ =	swait.ge [sflag:s22], $0x4000  }
0xc3: {  	[sflag:s22] =	ssyncset.done $0x0  }
0xc4: {  	[sflag:s22] =	ssyncadd.s32 $0xFFFFC000  }
0xc5: {  	_ =	swait.ge [sflag:s24], $0x4000  }
0xc6: {  	[sflag:s24] =	ssyncset.done $0x0  }
0xc7: {  	[sflag:s24] =	ssyncadd.s32 $0xFFFFC000  }
0xc8: {  	[spmem:s2] =	stream.indirect.scatter.add.f32 [tilespmem:s20], [sflag:$0x4], $0x80, s30, s19, $0xb8;
	[tilespmem:$0x1E800] =	vst v63  }
0xc9: {  	s0 =	stileid.u32;
	_ =	swait.ge [sflag:s26], $0x4000  }
0xca: {  	s7 =	sshrl.u32 s5, $0x3;
	s31 =	sadd.s32 $0x1, s31;
	[sflag:s26] =	ssyncset.done $0x0  }
0xcb: {  	s0 =	sshll.u32 s0, $0x6;
	p0 =	sne.s32 s31, s11;
	[sflag:s26] =	ssyncadd.s32 $0xFFFFC000  }
.Ltmp3:
0xcc: {  	s0 =	sor.u32 $0x1C05, s0;
	[bflag:$0x0] =	sbarrier.arrive $0xFFFF;
	(pc) =	sbr.rel @p0 .LBB2_1-.Ltmp3, $4  }
0xcd: {  	[hbm:s10], [sflag:s0] =	dma.local [spmem:s7], $0x2800  }
0xce: {  	_ =	swait.ge [sflag:s17], $0x2800  }
0xcf: {  	[sflag:s17] =	ssyncset.done $0x0  }
0xd0: {  	[sflag:s17] =	ssyncadd.s32 $0xFFFFD800  }
0xd1: {  	_ =	sfence.sel $0x180000  }
0xd2: {  	[bflag:$0x0] =	sbarrier.arrive $0xFFFF  }
0xd3: {  	_ =	strace $0x9000004D  }
0xd4: {  	s0 =	stileid.u32;
	[bflag:$0x2] =	sbarrier.arrive $0xFFFF  }
0xd5: {  	p0 =	sne.s32 s0, $0x0;
	s0 =	rddreg [dreg:$0x3]  }
0xd6: {  	s0 =	sadd.s32 @!p0 $0x100000, s0  }
0xd7: {  	[sflag:s0] =	ssyncadd.tile.s32 @!p0 $0x1;
	_ =	shalt  }
.Lfunc_end2:
_tile_overlayer_lowered:
.L_overlay_start_2:
0xd8: {  	(tag) =	ssettag $0x2  }
0xd9: {  	s0 =	rddreg [dreg:$0x0];
	s2 =	stileid.u32  }
0xda: {  	s1 =	rddreg [dreg:$0x1];
	p0 =	sne.s32 s2, $0x0  }
0xdb: {  	s3 =	rddreg [dreg:$0x2];
	[bflag:$0x3] =	sbarrier.arrive $0xFFFF;
	s2 =	simm.s32 @!p0 $0x1C05  }
0xdc: {  	[timem:s3], [sflag:s2] =	dma.local @!p0 [hbm:s0], s1  }
0xdd: {  	s0 =	simm.s32 @!p0 $0x5  }
0xde: {  	_ =	swait.ge @!p0 [sflag:s0], s1  }
0xdf: {  	s1 =	ssub.s32 @!p0 $0x0, s1;
	[sflag:s0] =	ssyncset.done @!p0 $0x0  }
0xe0: {  	[sflag:s0] =	ssyncadd.s32 @!p0 s1  }
0xe1: {  	[bflag:$0x3] =	sbarrier.arrive $0xFFFF  }
0xe2: {  	_ =	shalt  }

// kernel: kernel.8.cloned.1.call-start
scs
__scs_entry_jumppad:
0x0: {  	(pc) =	sbr.rel $0x88, $3  }
0x1: {  	(tag) =	ssettag $0x0;
	lr =	simm.s32 $0x1  }
0x2: {  	[smem:$0x3F9D] =	sst lr;
	_ =	strace $0xD0000000  }
0x3: {  	_ = 	snop  }
0x4: {  	_ = 	snop  }
0x5: {  	_ = 	snop  }
0x6: {  	_ = 	snop  }
0x7: {  	_ = 	snop  }
__scs_overlays_trampoline_lowered:
0x8: {  	[smem:$0x3FAC] =	sst s0  }
0x9: {  	[smem:$0x3FAD] =	sst s1  }
0xa: {  	[smem:$0x3FAE] =	sst s2  }
0xb: {  	[smem:$0x3FAF] =	sst s3  }
0xc: {  	[smem:$0x3FB0] =	sst s4  }
0xd: {  	[smem:$0x3FB1] =	sst s5  }
0xe: {  	[smem:$0x3FB2] =	sst s6  }
0xf: {  	[smem:$0x3FB3] =	sst s7  }
0x10: {  	[smem:$0x3FB4] =	sst s8  }
0x11: {  	[smem:$0x3FB5] =	sst s9;
	s0 =	simm.s32 @!p0 $0x0  }
0x12: {  	s1 =	sld [smem:$0x3F9B];
	s0 =	simm.s32 @p0 $0x1  }
0x13: {  	[smem:$0x3FB6] =	sst s0;
	s0 =	simm.s32 @!p1 $0x0  }
0x14: {  	s2 =	sld [smem:$0x3F9A];
	s0 =	simm.s32 @p1 $0x1  }
0x15: {  	[smem:$0x3FB7] =	sst s0;
	s0 =	simm.s32 @!p2 $0x0  }
0x16: {  	s3 =	sld [smem:$0x3FDB];
	s0 =	simm.s32 @p2 $0x1  }
0x17: {  	s4 =	simm.s32 $0x1BF5;
	[smem:$0x3FB9] =	sst s0  }
0x18: {  	s0 =	sld [smem:$0x3F9C];
	_ =	swait.ge [sflag:s4], $0x0  }
0x19: {  	s7 =	sld [smem:$0x3F9D]  }
0x1a: {  	s8 =	sadd.s32 $0xFFFFE003, lr  }
0x1b: {  	s9 =	sadd.s32 $0xFFFFFEF7, lr;
	s5 =	simm.s32 $0xFFFFFFFF;
	p2 =	slt.u32 s8, $0xFFFFF086  }
0x1c: {  	p1 =	slt.u32 s9, $0xF7A;
	s5 =	simm.s32 @!p2 $0x0  }
0x1d: {  	s5 =	simm.s32 @p1 $0x1;
	p0 =	seq.s32 s7, s2  }
0x1e: {  	s7 =	smul.u32 @!p0 $0xF7A, s2;
	p2 =	seq.s32 @!p0 s5, $0x0  }
0x1f: {  	s9 =	smul.u32 $0xF7A, s1;
	s8 =	simm.s32 @!p0 $0x1BF5;
	p2 =	por !p2, p0  }
0x20: {  	[sflag:s8] =	ssyncset.s32 @!p0 $0xFFFFF086;
	s6 =	sadd.s32 @!p0 s3, s7;
	s7 =	simm.s32 @!p0 $0x108  }
0x21: {  	s3 =	sadd.s32 s3, s9;
	s6 =	sadd.s32 @!p0 $0x88, s6;
	s7 =	simm.s32 @p2 $0x1082  }
0x22: {  	[simem:s7], [sflag:s8] =	dma.local @!p0 [hbm:s6], $0xF7A  }
0x23: {  	s9 =	sor.u32 $0xD0000000, s2;
	s6 =	simm.s32 $0x108;
	_ =	swait.ge @!p0 [sflag:s8], $0x0  }
0x24: {  	s3 =	sadd.s32 $0x88, s3;
	s6 =	simm.s32 @!p1 $0x1082;
	[sflag:s4] =	ssyncset.s32 $0xFFFFF086  }
0x25: {  	[simem:s6], [sflag:s4] =	dma.local [hbm:s3], $0xF7A  }
0x26: {  	[smem:$0x3F9D] =	sst s1;
	(tag) =	ssettag s2;
	_ =	strace s9  }
0x27: {  	s1 =	sld [smem:$0x3FAD]  }
0x28: {  	s2 =	sld [smem:$0x3FAE]  }
0x29: {  	s4 =	sld [smem:$0x3FB0]  }
0x2a: {  	p0 =	seq.s32 s5, $0x0;
	s5 =	sld [smem:$0x3FB1]  }
0x2b: {  	s6 =	sld [smem:$0x3FB2]  }
0x2c: {  	s7 =	sld [smem:$0x3FB3]  }
0x2d: {  	s3 =	simm.s32 $0x108;
	s8 =	sld [smem:$0x3FB4]  }
0x2e: {  	s3 =	simm.s32 @!p0 $0x1082;
	s9 =	sld [smem:$0x3FB5]  }
0x2f: {  	lr =	sadd.s32 s0, s3;
	s0 =	sld [smem:$0x3FAC]  }
0x30: {  	s3 =	sld [smem:$0x3FAF]  }
0x31: {  	[smem:$0x3FB8] =	sst s10  }
0x32: {  	s10 =	sld [smem:$0x3FB6];
	_ =	sdelay $0x3  }
0x33: {  	p0 =	seq.s32 s10, $0x1;
	s10 =	sld [smem:$0x3FB8];
	_ =	sdelay $0x3  }
0x34: {  	[smem:$0x3FB8] =	sst s10  }
0x35: {  	s10 =	sld [smem:$0x3FB7];
	_ =	sdelay $0x3  }
0x36: {  	p1 =	seq.s32 s10, $0x1;
	s10 =	sld [smem:$0x3FB8];
	_ =	sdelay $0x3  }
0x37: {  	[smem:$0x3FB8] =	sst s10  }
0x38: {  	s10 =	sld [smem:$0x3FB9]  }
0x39: {  	_ = 	snop;
	(pc) =	sbr.ind lr, $3  }
0x3a: {  	_ = 	snop  }
0x3b: {  	_ = 	snop  }
0x3c: {  	p2 =	seq.s32 s10, $0x1;
	s10 =	sld [smem:$0x3FB8]  }
0x3d: {  	_ =	shalt  }
0x3e: {  	_ =	shalt  }
0x3f: {  	_ =	shalt  }
0x40: {  	_ =	shalt  }
0x41: {  	_ =	shalt  }
0x42: {  	_ =	shalt  }
0x43: {  	_ =	shalt  }
0x44: {  	_ =	shalt  }
0x45: {  	_ =	shalt  }
0x46: {  	_ =	shalt  }
0x47: {  	_ =	shalt  }
0x48: {  	_ =	shalt  }
0x49: {  	_ =	shalt  }
0x4a: {  	_ =	shalt  }
0x4b: {  	_ =	shalt  }
0x4c: {  	_ =	shalt  }
0x4d: {  	_ =	shalt  }
0x4e: {  	_ =	shalt  }
0x4f: {  	_ =	shalt  }
0x50: {  	_ =	shalt  }
0x51: {  	_ =	shalt  }
0x52: {  	_ =	shalt  }
0x53: {  	_ =	shalt  }
0x54: {  	_ =	shalt  }
0x55: {  	_ =	shalt  }
0x56: {  	_ =	shalt  }
0x57: {  	_ =	shalt  }
0x58: {  	_ =	shalt  }
0x59: {  	_ =	shalt  }
0x5a: {  	_ =	shalt  }
0x5b: {  	_ =	shalt  }
0x5c: {  	_ =	shalt  }
0x5d: {  	_ =	shalt  }
0x5e: {  	_ =	shalt  }
0x5f: {  	_ =	shalt  }
0x60: {  	_ =	shalt  }
0x61: {  	_ =	shalt  }
0x62: {  	_ =	shalt  }
0x63: {  	_ =	shalt  }
0x64: {  	_ =	shalt  }
0x65: {  	_ =	shalt  }
0x66: {  	_ =	shalt  }
0x67: {  	_ =	shalt  }
0x68: {  	_ =	shalt  }
0x69: {  	_ =	shalt  }
0x6a: {  	_ =	shalt  }
0x6b: {  	_ =	shalt  }
0x6c: {  	_ =	shalt  }
0x6d: {  	_ =	shalt  }
0x6e: {  	_ =	shalt  }
0x6f: {  	_ =	shalt  }
0x70: {  	_ =	shalt  }
0x71: {  	_ =	shalt  }
0x72: {  	_ =	shalt  }
0x73: {  	_ =	shalt  }
0x74: {  	_ =	shalt  }
0x75: {  	_ =	shalt  }
0x76: {  	_ =	shalt  }
0x77: {  	_ =	shalt  }
0x78: {  	_ =	shalt  }
0x79: {  	_ =	shalt  }
0x7a: {  	_ =	shalt  }
0x7b: {  	_ =	shalt  }
0x7c: {  	_ =	shalt  }
0x7d: {  	_ =	shalt  }
0x7e: {  	_ =	shalt  }
0x7f: {  	_ =	shalt  }
0x80: {  	_ =	shalt  }
0x81: {  	_ =	shalt  }
0x82: {  	_ =	shalt  }
0x83: {  	_ =	shalt  }
0x84: {  	_ =	shalt  }
0x85: {  	_ =	shalt  }
0x86: {  	_ =	shalt  }
0x87: {  	_ =	shalt  }
.Lfunc_end0:
.L_simem_size_0:
called_computation_lowered:
.L_overlay_start_0:
0x88: {  	s2 =	sld [smem:$0x3FD9]  }
0x89: {  	s3 =	sld [smem:$0x3FFE];
	_ =	sdelay $0x1  }
0x8a: {  	s1 =	srdreg.scid  }
0x8b: {  	s0 =	sand.u32 $0x1, s1  }
0x8c: {  	s17 =	sshll.u32 s0, $0xA;
	s2 =	sadd.s32 s3, s2  }
0x8d: {  	s2 =	sadd.s32 s2, s17  }
0x8e: {  	[smem:$0x3FC4] =	sst s2  }
0x8f: {  	_ = 	snop  }
0x90: {  	s2 =	sld [smem:$0x3FD0];
	(tm) =	ssettm $0x1  }
0x91: {  	s18 =	sld [smem:$0x3FFB];
	_ =	sdelay $0x3  }
0x92: {  	_ =	strace s18  }
0x93: {  	s3 =	sld [smem:$0x3FFC];
	_ =	sdelay $0x3  }
0x94: {  	_ =	strace s3  }
0x95: {  	s3 =	sld [smem:$0x3FFD];
	_ =	sdelay $0x3  }
0x96: {  	_ =	strace s3  }
0x97: {  	_ =	strace $0x8FFFFFFF  }
0x98: {  	s19 =	sld [smem:$0x3FDB];
	_ =	sdelay $0x1  }
0x99: {  	s4 =	simm.s32 $_scs_section_size  }
0x9a: {  	s5 =	simm.s32 $_size__tile_overlayer_lowered;
	s6 =	simm.s32 $_tile_overlayer_lowered  }
0x9b: {  	s22 =	simm.s32 $0x1BFF;
	s21 =	sshll.u32 s6, $0x1;
	s3 =	sadd.s32 s4, s19  }
0x9c: {  	s7 =	simm.s32 $0x0;
	s20 =	sshll.u32 s5, $0x1;
	s5 =	sadd.s32 s21, s3  }
0x9d: {  	[timem:s7], [sflag:s22] =	dma.local [hbm:s5], s20  }
0x9e: {  	_ =	swait.ge [sflag:s22], s20  }
0x9f: {  	s4 =	ssub.s32 $0x0, s20;
	[sflag:s22] =	ssyncset.done $0x0  }
0xa0: {  	[sflag:s22] =	ssyncadd.s32 s4;
	_ =	sdelay $0x1  }
0xa1: {  	s23 =	simm.s32 $0x1B8B  }
0xa2: {  	_ =	swait.ge [sflag:s23], $0x1  }
0xa3: {  	[sflag:s23] =	ssyncset.done $0x0  }
0xa4: {  	s25 =	simm.s32 $0x1B8E;
	s24 =	sld [smem:$0x3FFE];
	[sflag:s23] =	ssyncadd.s32 $0xFFFFFFFF  }
0xa5: {  	s26 =	simm.s32 $execute0_lowered;
	[smem:$0x3FD2] =	sst s25  }
0xa6: {  	s5 =	sshll.u32 s26, $0x1;
	_ =	strace $0x80000046;
	[dreg:$0x1] =	wrdreg $0xFFFFFFFF  }
0xa7: {  	s28 =	simm.s32 $_size_execute0_lowered;
	s3 =	sadd.s32 s3, s5;
	[dreg:$0x0] =	wrdreg $0x0  }
0xa8: {  	s5 =	sshll.u32 s28, $0x1;
	[dreg:$0x2] =	wrdreg s3  }
0xa9: {  	[dreg:$0x3] =	wrdreg s5  }
0xaa: {  	[dreg:$0x4] =	wrdreg $0xC0  }
0xab: {  	_ =	task [dreg:s7], $0x5FFFF  }
0xac: {  	[dreg:$0x1] =	wrdreg $0xFFFFFFFF  }
0xad: {  	[dreg:$0x0] =	wrdreg $0x60  }
0xae: {  	[dreg:$0x2] =	wrdreg s2  }
0xaf: {  	[dreg:$0x3] =	wrdreg s24  }
0xb0: {  	[dreg:$0x4] =	wrdreg $0x9  }
0xb1: {  	_ =	task.clear_ibuf [dreg:s7], $0x5FFFF;
	_ =	strace $0x90000046  }
0xb2: {  	s29 =	simm.s32 $0x9;
	_ =	strace $0x80000048  }
0xb3: {  	_ =	swait.ge [sflag:s29], $0x1  }
0xb4: {  	[sflag:s29] =	ssyncadd.s32 $0xFFFFFFFF  }
0xb5: {  	_ =	strace $0x90000048  }
0xb6: {  	_ =	sfence  }
0xb7: {  	s30 =	sld [smem:$0x0];
	_ =	sdelay $0x2  }
0xb8: {  	s31 =	sshll.u32 s1, $0xD;
	s1 =	sshrl.u32 s1, $0x2  }
0xb9: {  	s3 =	sand.u32 $0x4000, s31;
	s1 =	sadd.s32 s1, s30  }
0xba: {  	s0 =	sor.u32 s3, s0;
	s1 =	sshll.u32 s1, $0x11  }
0xbb: {  	s0 =	sor.u32 s1, s0  }
0xbc: {  	s0 =	sadd.s32 $0x8F2B, s0  }
0xbd: {  	[sflag:s0] =	ssyncadd.remote.s32 $0x1  }
0xbe: {  	_ =	sfence.sel $0xFFFF  }
0xbf: {  	[dreg:$0x0] =	wrdreg $0xFFFFFFFF;
	(pc) =	sbr.abs _section_cstart, $3  }
0xc0: {  	[dreg:$0x1] =	wrdreg $0xFFFFFFFF  }
0xc1: {  	_ =	task.clear_ibuf [dreg:s7], $0x2FFFF;
	_ =	strace $0x9FFFFFFF  }
0xc2: {  	(tm) =	ssettm $0x7FFFFFFF  }
0xc3: {  	_ =	shalt  }
tec
execute0_lowered:
.L_overlay_start_1:
0x0: {  	(tag) =	ssettag $0x1  }
0x1: {  	s3 =	rddreg [dreg:$0x0];
	s1 =	srdreg.scid  }
0x2: {  	s0 =	stileid.u32;
	s4 =	rddreg [dreg:$0x1];
	s9 =	simm.s32 $0x400  }
0x3: {  	s10 =	simm.s32 $0x0;
	s5 =	sand.u32 $0x1, s1;
	s2 =	sshll.u32 s0, $0x1  }
0x4: {  	s1 =	rddreg [dreg:$0x2];
	s7 =	sshrl.u32 s0, $0x2;
	s6 =	sor.u32 s5, s2  }
0x5: {  	s2 =	simm.s32 $0x0;
	s7 =	smul.u32 $0x14000, s7;
	s5 =	ssub.s32 $0x2, s5  }
0x6: {  	s8 =	sshll.u32 s6, $0x7;
	[smem:$0x7FF] =	sst s2;
	s6 =	smul.u32 $0x2800, s6  }
0x7: {  	s31 =	sshrl.u32 s5, $0x1;
	s8 =	sand.u32 $0x380, s8;
	_ =	strace $0x80000047  }
0x8: {  	s5 =	ssub.s32 s5, s31;
	s7 =	sor.u32 s7, s8;
	s6 =	sshrl.u32 s6, $0x3  }
0x9: {  	s5 =	smax.u32 s5, $0x1;
	s8 =	simm.s32 $0x80;
	s7 =	sshrl.u32 s7, $0x3  }
0xa: {  	s3 =	sadd.s32 s3, s6;
	s6 =	simm.s32 $0x1;
	s4 =	sadd.s32 s7, s4  }
0xb: {  	v0 =	vimm.f32 $0.0e+00;
	v1 =	vimm.f32 $1.000000000e+00;
	s3 =	sadd.s32 $0xA000, s3;
	s7 =	simm.s32 $0x2800;
	s4 =	sadd.s32 $0x2200, s4  }
.LBB2_1:
0xc: {  	s11 =	simm.s32 $0x40;
	s12 =	simm.s32 $0x0  }
.LBB2_2:
0xd: {  	p0 =	sne.s32 s11, $0x9FC0;
	[tilespmem:s12+$0x2800] =	vst v0;
	s12 =	smov.u32 s11;
	s11 =	sadd.s32 $0x40, s11  }
.Ltmp0:
0xe: {  	(pc) =	sbr.rel @p0 .LBB2_2-.Ltmp0, $2  }
0xf: {  	_ =	sdelay $0x2  }
0x10: {  	s12 =	sshra.s32 s12, $0x2  }
0x11: {  	[tilespmem:s12+$0x2800] =	vst v0  }
0x12: {  	[tilespmem:s2], [sflag:$0x1] =	stream.linear.gather [hbm4b:s3+s2], $0x2800, $0x38;
	[tilespmem:$0x5000] =	vst v63  }
0x13: {  	_ =	swait.ge [sflag:s6], $0x2800  }
0x14: {  	[sflag:s6] =	ssyncset.done $0x0  }
0x15: {  	s11 =	simm.s32 $0x1C0;
	[sflag:s6] =	ssyncadd.s32 $0xFFFFD800  }
.LBB2_4:
0x16: {  	s12 =	sshra.s32 s11, $0x2  }
0x17: {  	v2 =	vld [tilespmem:s12+$0xFFFFFF90];
	_ =	sdelay $0x7  }
0x18: {  	[tilespmem:v2+s7+$0x0] =	vst.idx.add.f32.msk $0xffff, v1  }
0x19: {  	v2 =	vld [tilespmem:s12+$0xFFFFFFA0];
	_ =	sdelay $0x7  }
0x1a: {  	[tilespmem:v2+s7+$0x0] =	vst.idx.add.f32.msk $0xffff, v1  }
0x1b: {  	v2 =	vld [tilespmem:s12+$0xFFFFFFB0];
	_ =	sdelay $0x7  }
0x1c: {  	[tilespmem:v2+s7+$0x0] =	vst.idx.add.f32.msk $0xffff, v1  }
0x1d: {  	v2 =	vld [tilespmem:s12+$0xFFFFFFC0];
	_ =	sdelay $0x7  }
0x1e: {  	[tilespmem:v2+s7+$0x0] =	vst.idx.add.f32.msk $0xffff, v1  }
0x1f: {  	v2 =	vld [tilespmem:s12+$0xFFFFFFD0];
	_ =	sdelay $0x7  }
0x20: {  	[tilespmem:v2+s7+$0x0] =	vst.idx.add.f32.msk $0xffff, v1  }
0x21: {  	v2 =	vld [tilespmem:s12+$0xFFFFFFE0];
	_ =	sdelay $0x7  }
0x22: {  	[tilespmem:v2+s7+$0x0] =	vst.idx.add.f32.msk $0xffff, v1  }
0x23: {  	v2 =	vld [tilespmem:s12+$0xFFFFFFF0];
	_ =	sdelay $0x7  }
0x24: {  	[tilespmem:v2+s7+$0x0] =	vst.idx.add.f32.msk $0xffff, v1  }
0x25: {  	v2 =	vld [tilespmem:s12+$0x0];
	_ =	sdelay $0x2  }
0x26: {  	p0 =	sne.s32 s11, $0x9FC0  }
.Ltmp1:
0x27: {  	_ = 	snop;
	(pc) =	sbr.rel @p0 .LBB2_4-.Ltmp1, $2  }
0x28: {  	_ =	sdelay $0x2  }
0x29: {  	s11 =	sadd.s32 $0x200, s11;
	[tilespmem:v2+s7+$0x0] =	vst.idx.add.f32.msk $0xffff, v1  }
0x2a: {  	s10 =	sadd.s32 $0x1, s10  }
0x2b: {  	p0 =	sne.s32 s10, s5  }
.Ltmp2:
0x2c: {  	_ = 	snop;
	(pc) =	sbr.rel @p0 .LBB2_1-.Ltmp2, $4  }
0x2d: {  	[hbm4b:s4+s8] =	stream.strided.scatter [tilespmem:s7], [sflag:$0x1], $0x2800, s9, s8, $0x38;
	[tilespmem:$0x5000] =	vst v63  }
0x2e: {  	_ =	swait.ge [sflag:s6], $0x2800  }
0x2f: {  	[sflag:s6] =	ssyncset.done $0x0  }
0x30: {  	[sflag:s6] =	ssyncadd.s32 $0xFFFFD800  }
0x31: {  	_ =	sfence.sel $0x180000  }
0x32: {  	[bflag:$0x0] =	sbarrier.arrive $0xFFFF  }
0x33: {  	p0 =	sne.s32 s0, $0x0;
	_ =	strace $0x90000047  }
0x34: {  	s0 =	sadd.s32 @!p0 $0x100000, s1;
	[bflag:$0x2] =	sbarrier.arrive $0xFFFF  }
0x35: {  	[sflag:s0] =	ssyncadd.tile.s32 @!p0 $0x1;
	_ =	shalt  }
.Lfunc_end2:
_tile_overlayer_lowered:
.L_overlay_start_2:
0x36: {  	(tag) =	ssettag $0x2  }
0x37: {  	s0 =	rddreg [dreg:$0x0];
	s2 =	stileid.u32  }
0x38: {  	s1 =	rddreg [dreg:$0x1];
	p0 =	sne.s32 s2, $0x0  }
0x39: {  	s3 =	rddreg [dreg:$0x2];
	[bflag:$0x3] =	sbarrier.arrive $0xFFFF;
	s2 =	simm.s32 @!p0 $0x1C01  }
0x3a: {  	[timem:s3], [sflag:s2] =	dma.local @!p0 [hbm:s0], s1  }
0x3b: {  	s0 =	simm.s32 @!p0 $0x1  }
0x3c: {  	_ =	swait.ge @!p0 [sflag:s0], s1  }
0x3d: {  	s1 =	ssub.s32 @!p0 $0x0, s1;
	[sflag:s0] =	ssyncset.done @!p0 $0x0  }
0x3e: {  	[sflag:s0] =	ssyncadd.s32 @!p0 s1  }
0x3f: {  	[bflag:$0x3] =	sbarrier.arrive $0xFFFF  }
0x40: {  	_ =	shalt  }

</sc_bundles>
